<compile_context>
chip_gen: v7x
topology: tpu7x:2x2x1
jax: 0.10.2.dev20260603
libtpu: 0.0.44.dev20260713+nightly
codegen_flags: <defaults>
</compile_context>

<pallas_src>
import jax
import jax.numpy as jnp
from jax import lax
from jax.experimental import pallas as pl
from jax.experimental.pallas import tpu as pltpu
from jax.experimental.pallas import tpu_sc as plsc

N = 10000
E = 320000
D = 128
OUT = 5
G = 20

NC = 2
NS = 16
NW = NC * NS
CHUNK = 128
CW = 80
EP = NW * CW * CHUNK
NP = 10240
DUMMY = N
RPT = NP // NS
GP = 32
BLK = 1024
NBW = 8
NBD = 2
EPC = EP // CHUNK
CWS = EPC // NS
NBS = 2
HW = D // NC

assert CWS % NBS == 0 and (EPC // NW) % NBW == 0


def _mesh():
    return plsc.VectorSubcoreMesh(
        core_axis_name="c", subcore_axis_name="s",
        num_cores=NC, num_subcores=NS)



def _sc_degree(dstp4, ones_chunk, zeros_w):
    def body(dst_hbm, ones_hbm, zeros_hbm, out_hbm, didx_v, ones_v, acc_sh):
        c = lax.axis_index("c")
        s = lax.axis_index("s")
        wid = s * NC + c
        t0 = s * RPT
        pltpu.sync_copy(zeros_hbm, acc_sh.at[pl.ds(t0, RPT)])
        pltpu.sync_copy(ones_hbm, ones_v)
        pltpu.sync_copy(dst_hbm.at[wid], didx_v)
        plsc.subcore_barrier()

        def step(k, carry):
            pltpu.sync_copy(ones_v, acc_sh.at[didx_v.at[k]], add=True)
            return carry

        lax.fori_loop(0, CW, step, 0)
        plsc.subcore_barrier()
        pltpu.sync_copy(acc_sh.at[pl.ds(t0, RPT)],
                        out_hbm.at[c, pl.ds(t0, RPT)])

    return pl.kernel(
        body,
        out_type=jax.ShapeDtypeStruct((NC, NP, 16), jnp.float32),
        mesh=_mesh(),
        compiler_params=pltpu.CompilerParams(use_tc_tiling_on_sc=False),
        scratch_types=[
            pltpu.VMEM((CW, CHUNK), jnp.int32),
            pltpu.VMEM((CHUNK, 16), jnp.float32),
            pltpu.VMEM_SHARED((NP, 16), jnp.float32),
        ],
    )(dstp4, ones_chunk, zeros_w)


def _sc_feat_spmem(tabs, src2d, dst2d, zeros_w):
    def body(tab_hbm, src_hbm, dst_hbm, zeros_hbm, out_hbm,
             sidx_v, didx_g, rows_bufs, tab_sh, acc_sh, gsems, ssems):
        c = lax.axis_index("c")
        s = lax.axis_index("s")
        t0 = s * RPT
        pltpu.sync_copy(tab_hbm.at[c, pl.ds(t0, RPT)],
                        tab_sh.at[pl.ds(t0, RPT)])
        pltpu.sync_copy(zeros_hbm, acc_sh.at[pl.ds(t0, RPT)])
        pltpu.sync_copy(src_hbm.at[pl.ds(s * CWS, CWS)], sidx_v)
        plsc.subcore_barrier()

        def group(g, carry):
            base = g * NBS
            gds = []
            for b in range(NBS):
                gds.append(pltpu.async_copy(
                    tab_sh.at[sidx_v.at[base + b]], rows_bufs[b], gsems[b]))
            pltpu.sync_copy(
                dst_hbm.at[pl.ds(s * CWS + base, NBS)], didx_g)
            sds = []
            for b in range(NBS):
                gds[b].wait()
                sds.append(pltpu.async_copy(
                    rows_bufs[b], acc_sh.at[didx_g.at[b]], ssems[b],
                    add=True))
            for sd in sds:
                sd.wait()
            return carry

        lax.fori_loop(0, CWS // NBS, group, 0)
        plsc.subcore_barrier()
        pltpu.sync_copy(acc_sh.at[pl.ds(t0, RPT)],
                        out_hbm.at[c, pl.ds(t0, RPT)])

    return pl.kernel(
        body,
        out_type=jax.ShapeDtypeStruct((NC, NP, HW), jnp.float32),
        mesh=_mesh(),
        compiler_params=pltpu.CompilerParams(use_tc_tiling_on_sc=False),
        scratch_types=[
            pltpu.VMEM((CWS, CHUNK), jnp.int32),
            pltpu.VMEM((NBS, CHUNK), jnp.int32),
            [pltpu.VMEM((CHUNK, HW), jnp.float32) for _ in range(NBS)],
            pltpu.VMEM_SHARED((NP, HW), jnp.float32),
            pltpu.VMEM_SHARED((NP, HW), jnp.float32),
            [pltpu.SemaphoreType.DMA for _ in range(NBS)],
            [pltpu.SemaphoreType.DMA for _ in range(NBS)],
        ],
    )(tabs, src2d, dst2d, zeros_w)


def _sc_edge_spmem(table, src2d, dst2d, zeros_w, width, nbuf):
    cpt = EPC // NW

    def body(tab_hbm, src_hbm, dst_hbm, zeros_hbm, out_hbm,
             sidx_v, didx_g, rows_bufs, tab_sh, acc_sh, gsems, ssems):
        c = lax.axis_index("c")
        s = lax.axis_index("s")
        wid = c * NS + s
        t0 = s * RPT
        pltpu.sync_copy(tab_hbm.at[pl.ds(t0, RPT)], tab_sh.at[pl.ds(t0, RPT)])
        pltpu.sync_copy(zeros_hbm, acc_sh.at[pl.ds(t0, RPT)])
        pltpu.sync_copy(src_hbm.at[pl.ds(wid * cpt, cpt)], sidx_v)
        plsc.subcore_barrier()

        def group(g, carry):
            base = g * nbuf
            gds = []
            for b in range(nbuf):
                gds.append(pltpu.async_copy(
                    tab_sh.at[sidx_v.at[base + b]], rows_bufs[b], gsems[b]))
            pltpu.sync_copy(
                dst_hbm.at[pl.ds(wid * cpt + base, nbuf)], didx_g)
            sds = []
            for b in range(nbuf):
                gds[b].wait()
                sds.append(pltpu.async_copy(
                    rows_bufs[b], acc_sh.at[didx_g.at[b]], ssems[b],
                    add=True))
            for sd in sds:
                sd.wait()
            return carry

        lax.fori_loop(0, cpt // nbuf, group, 0)
        plsc.subcore_barrier()
        pltpu.sync_copy(acc_sh.at[pl.ds(t0, RPT)],
                        out_hbm.at[c, pl.ds(t0, RPT)])

    return pl.kernel(
        body,
        out_type=jax.ShapeDtypeStruct((NC, NP, width), jnp.float32),
        mesh=_mesh(),
        compiler_params=pltpu.CompilerParams(use_tc_tiling_on_sc=False),
        scratch_types=[
            pltpu.VMEM((EPC // NW, CHUNK), jnp.int32),
            pltpu.VMEM((nbuf, CHUNK), jnp.int32),
            [pltpu.VMEM((CHUNK, width), jnp.float32) for _ in range(nbuf)],
            pltpu.VMEM_SHARED((NP, width), jnp.float32),
            pltpu.VMEM_SHARED((NP, width), jnp.float32),
            [pltpu.SemaphoreType.DMA for _ in range(nbuf)],
            [pltpu.SemaphoreType.DMA for _ in range(nbuf)],
        ],
    )(table, src2d, dst2d, zeros_w)



def _dinv_from(deg_blk):
    return lax.rsqrt(deg_blk[0][:, 0:1] + deg_blk[1][:, 0:1] + 1.0)


def _tc_mm(xp, W1):
    def body(x_ref, w_ref, out_ref):
        out_ref[...] = jnp.dot(x_ref[...], w_ref[...],
                               preferred_element_type=jnp.float32)

    return pl.pallas_call(
        body,
        grid=(NP // BLK,),
        in_specs=[
            pl.BlockSpec((BLK, D), lambda i: (i, 0)),
            pl.BlockSpec((D, D), lambda i: (0, 0)),
        ],
        out_specs=pl.BlockSpec((BLK, D), lambda i: (i, 0)),
        out_shape=jax.ShapeDtypeStruct((NP, D), jnp.float32),
    )(xp, W1)


def _tc_scale(h1, deg2):
    def body(h_ref, deg_ref, out_ref):
        out_ref[...] = h_ref[...] * _dinv_from(deg_ref)

    return pl.pallas_call(
        body,
        grid=(NP // BLK,),
        in_specs=[
            pl.BlockSpec((BLK, D), lambda i: (i, 0)),
            pl.BlockSpec((NC, BLK, 16), lambda i: (0, i, 0)),
        ],
        out_specs=pl.BlockSpec((BLK, D), lambda i: (i, 0)),
        out_shape=jax.ShapeDtypeStruct((NP, D), jnp.float32),
    )(h1, deg2)


def _tc_z(agg, h1p, deg2, b1r, W2p):
    def body(agg_ref, h1_ref, deg_ref, b1_ref, w2_ref, out_ref):
        dinv = _dinv_from(deg_ref)
        agg_full = jnp.concatenate([agg_ref[0], agg_ref[1]], axis=1)
        pre = dinv * (agg_full + h1_ref[...]) + b1_ref[...]
        h = jnp.where(pre >= 0, pre, 0.01 * pre)
        z = jnp.dot(h, w2_ref[...], preferred_element_type=jnp.float32)
        out_ref[...] = z * dinv

    return pl.pallas_call(
        body,
        grid=(NP // BLK,),
        in_specs=[
            pl.BlockSpec((NC, BLK, HW), lambda i: (0, i, 0)),
            pl.BlockSpec((BLK, D), lambda i: (i, 0)),
            pl.BlockSpec((NC, BLK, 16), lambda i: (0, i, 0)),
            pl.BlockSpec((1, D), lambda i: (0, 0)),
            pl.BlockSpec((D, 16), lambda i: (0, 0)),
        ],
        out_specs=pl.BlockSpec((BLK, 16), lambda i: (i, 0)),
        out_shape=jax.ShapeDtypeStruct((NP, 16), jnp.float32),
    )(agg, h1p, deg2, b1r, W2p)


def _tc_pool(agg2, zp, deg2, batch2d, b2p):
    def body(agg_ref, zp_ref, deg_ref, b_ref, b2_ref, out_ref):
        dinv = _dinv_from(deg_ref)
        a2 = dinv * (agg_ref[0] + agg_ref[1] + zp_ref[...])
        gids = lax.broadcasted_iota(jnp.int32, (GP, NP), 0)
        mask = (b_ref[...] == gids).astype(jnp.float32)
        gsum = jnp.dot(mask, a2, preferred_element_type=jnp.float32)
        cnt = jnp.sum(mask, axis=1, keepdims=True)
        out_ref[...] = gsum / jnp.maximum(cnt, 1.0) + b2_ref[...]

    return pl.pallas_call(
        body,
        out_shape=jax.ShapeDtypeStruct((GP, 16), jnp.float32),
    )(agg2, zp, deg2, batch2d, b2p)



def kernel(x, edge_index, batch, W1, b1, W2, b2):
    x = x.astype(jnp.float32)
    src = edge_index[0].astype(jnp.int32)
    dst = edge_index[1].astype(jnp.int32)
    pad = EP - E
    srcp3 = jnp.concatenate(
        [src, jnp.zeros((pad,), jnp.int32)]).reshape(NW, CW, CHUNK)
    dstp4 = jnp.concatenate(
        [dst, jnp.full((pad,), DUMMY, jnp.int32)]).reshape(NW, CW, CHUNK)
    xp = jnp.concatenate([x, jnp.zeros((NP - N, D), jnp.float32)])
    batch2d = jnp.concatenate(
        [batch.astype(jnp.int32), jnp.full((NP - N,), G, jnp.int32)]
    ).reshape(1, NP)
    src2d = srcp3.reshape(EPC, CHUNK)
    dst2d = dstp4.reshape(EPC, CHUNK)
    ones_chunk = jnp.ones((CHUNK, 16), jnp.float32)
    zeros16 = jnp.zeros((RPT, 16), jnp.float32)
    zeros64 = jnp.zeros((RPT, HW), jnp.float32)
    W2p = jnp.concatenate(
        [W2.astype(jnp.float32), jnp.zeros((D, 16 - OUT), jnp.float32)], axis=1)
    b1r = b1.astype(jnp.float32).reshape(1, D)
    b2p = jnp.concatenate(
        [b2.astype(jnp.float32), jnp.zeros((16 - OUT,), jnp.float32)]
    ).reshape(1, 16)

    h1 = _tc_mm(xp, W1.astype(jnp.float32))
    deg2 = _sc_degree(dstp4, ones_chunk, zeros16)
    h1p = _tc_scale(h1, deg2)
    tabs = h1p.reshape(NP, NC, HW).transpose(1, 0, 2)
    agg = _sc_feat_spmem(tabs, src2d, dst2d, zeros64)
    zp = _tc_z(agg, h1p, deg2, b1r, W2p)
    agg2 = _sc_edge_spmem(zp, src2d, dst2d, zeros16, 16, NBW)
    g = _tc_pool(agg2, zp, deg2, batch2d, b2p)
    g5 = g[:G, :OUT]
    return (g5[:, :2], g5[:, 2:4], g5[:, 4:5])

# --- scband reference (transcript-rebuilt; emitter-appended) ---
"""Pipeline reference for scband-classifier-51926154609372 (READ-ONLY COPY).

The authoritative reference and input builder live on the scoring server;
editing this copy changes nothing except your own understanding.
"""

import jax, jax.numpy as jnp
import numpy as np

N = 10000
E = 320000
D = 128
NCLASS = 2
OUT = NCLASS + 3
G = 20


def _gcn_conv(x, src, dst, W, b):
    n = x.shape[0]
    loops = jnp.arange(n, dtype=src.dtype)
    s = jnp.concatenate([src, loops])
    d = jnp.concatenate([dst, loops])
    deg = jnp.zeros((n,), x.dtype).at[d].add(1.0)
    dinv = jnp.where(deg > 0, deg ** -0.5, 0.0)
    norm = (dinv[s] * dinv[d])[:, None]
    h = x @ W
    out = jnp.zeros((n, W.shape[1]), x.dtype).at[d].add(h[s] * norm)
    return out + b


def _scatter_mean(x, seg, num):
    s = jax.ops.segment_sum(x, seg, num_segments=num)
    c = jax.ops.segment_sum(jnp.ones((x.shape[0],), x.dtype), seg, num_segments=num)
    return s / jnp.maximum(c, 1.0)[:, None]


def _forward(x, edge_index, batch, W1, b1, W2, b2):
    h = _gcn_conv(x, edge_index[0], edge_index[1], W1, b1)
    h = jax.nn.leaky_relu(h, negative_slope=0.01)
    h = _gcn_conv(h, edge_index[0], edge_index[1], W2, b2)
    g = _scatter_mean(h, batch, G)
    return (g[..., :NCLASS], g[..., -3:-1], g[..., -1:])


def setup_inputs(seed: int = 0):
    key = jax.random.key(seed)
    ks = jax.random.split(key, 6)
    x = jax.random.normal(ks[0], (N, D), dtype=jnp.float32)
    edge_index = jax.random.randint(ks[1], (2, E), 0, N)
    batch = jnp.sort(jax.random.randint(ks[2], (N,), 0, G))
    W1 = jax.random.normal(ks[3], (D, D), dtype=jnp.float32) / np.sqrt(D)
    b1 = jnp.zeros((D,), jnp.float32)
    W2 = jax.random.normal(ks[4], (D, OUT), dtype=jnp.float32) / np.sqrt(D)
    b2 = jnp.zeros((OUT,), jnp.float32)
    return {"x": x, "edge_index": edge_index, "batch": batch, "W1": W1, "b1": b1, "W2": W2, "b2": b2}


def reference(x, edge_index, batch, W1, b1, W2, b2):
    return _forward(x, edge_index, batch, W1, b1, W2, b2)

if __name__ == "__main__":
    import jax
    _d = setup_inputs()
    print(jax.jit(kernel)(*tuple(_d.values())))

</pallas_src>

<mosaic_0001>
#map = affine_map<(d0, d1) -> (0, 0, 0)>
#map1 = affine_map<(d0, d1) -> (0, 0)>
module attributes {stable_mosaic.version = 14 : i64} {
  func.func @body(%arg0: i32, %arg1: i32, %arg2: memref<32x80x128xi32, #tpu.memory_space<hbm>>, %arg3: memref<128x16xf32, #tpu.memory_space<hbm>>, %arg4: memref<640x16xf32, #tpu.memory_space<hbm>>, %arg5: memref<2x10240x16xf32, #tpu.memory_space<hbm>>, %arg6: memref<80x128xi32, #tpu.memory_space<vmem>>, %arg7: memref<128x16xf32, #tpu.memory_space<vmem>>, %arg8: memref<10240x16xf32, #tpu.memory_space<vmem_shared>>) attributes {dimension_semantics = [#tpu.dimension_semantics<core_parallel>, #tpu.dimension_semantics<subcore_parallel>], iteration_bounds = array<i64: 2, 16>, scalar_prefetch = 0 : i64, scratch_operands = 3 : i64, tpu.core_type = #tpu.core_type<sc_vector_subcore>, window_params = [{transform_indices = #map}, {transform_indices = #map1}, {transform_indices = #map1}, {transform_indices = #map}]} {
    %mul3A = arith.constant 2 : i32
    %mul3A_0 = arith.muli %arg1, %mul3A : i32
    %add3A = arith.addi %mul3A_0, %arg0 : i32
    %mul3A_1 = arith.constant 640 : i32
    %mul3A_2 = arith.muli %arg1, %mul3A_1 : i32
    "tpu.region"() ({
      %run_scoped3A = tpu.sem_alloc : memref<!tpu.dma_semaphore, #tpu.memory_space<semaphore_mem>>
      %dma_start3A = arith.constant 0 : i32
      %dma_start3A_9 = tpu.memref_slice %arg8[%mul3A_2, %dma_start3A] : memref<10240x16xf32, #tpu.memory_space<vmem_shared>> -> memref<640x16xf32, #tpu.memory_space<vmem_shared>>
      tpu.enqueue_dma source(%arg4 : memref<640x16xf32, #tpu.memory_space<hbm>>) target(%dma_start3A_9 : memref<640x16xf32, #tpu.memory_space<vmem_shared>>) target_semaphore(%run_scoped3A : memref<!tpu.dma_semaphore, #tpu.memory_space<semaphore_mem>>)
      %dma_wait3A = arith.constant 0 : i32
      %dma_wait3A_10 = tpu.memref_slice %arg8[%mul3A_2, %dma_wait3A] : memref<10240x16xf32, #tpu.memory_space<vmem_shared>> -> memref<640x16xf32, #tpu.memory_space<vmem_shared>>
      tpu.wait_dma2 semaphore(%run_scoped3A : memref<!tpu.dma_semaphore, #tpu.memory_space<semaphore_mem>>) src(%arg4 : memref<640x16xf32, #tpu.memory_space<hbm>>) dst(%dma_wait3A_10 : memref<640x16xf32, #tpu.memory_space<vmem_shared>>)
      tpu.yield
    }) : () -> ()
    "tpu.region"() ({
      %run_scoped3A = tpu.sem_alloc : memref<!tpu.dma_semaphore, #tpu.memory_space<semaphore_mem>>
      tpu.enqueue_dma source(%arg3 : memref<128x16xf32, #tpu.memory_space<hbm>>) target(%arg7 : memref<128x16xf32, #tpu.memory_space<vmem>>) target_semaphore(%run_scoped3A : memref<!tpu.dma_semaphore, #tpu.memory_space<semaphore_mem>>)
      tpu.wait_dma2 semaphore(%run_scoped3A : memref<!tpu.dma_semaphore, #tpu.memory_space<semaphore_mem>>) src(%arg3 : memref<128x16xf32, #tpu.memory_space<hbm>>) dst(%arg7 : memref<128x16xf32, #tpu.memory_space<vmem>>)
      tpu.yield
    }) : () -> ()
    "tpu.region"() ({
      %run_scoped3A = tpu.sem_alloc : memref<!tpu.dma_semaphore, #tpu.memory_space<semaphore_mem>>
      %dma_start3A = arith.constant 0 : i32
      %dma_start3A_9 = arith.constant 0 : i32
      %dma_start3A_10 = tpu.memref_slice %arg2[%add3A, %dma_start3A, %dma_start3A_9] : memref<32x80x128xi32, #tpu.memory_space<hbm>> -> memref<1x80x128xi32, #tpu.memory_space<hbm>>
      %dma_start3A_11 = tpu.memref_squeeze %dma_start3A_10 : memref<1x80x128xi32, #tpu.memory_space<hbm>> -> memref<80x128xi32, #tpu.memory_space<hbm>>
      %dma_start3A_12 = arith.constant 0 : i32
      %dma_start3A_13 = arith.constant 0 : i32
      %dma_start3A_14 = tpu.memref_slice %arg2[%add3A, %dma_start3A_12, %dma_start3A_13] : memref<32x80x128xi32, #tpu.memory_space<hbm>> -> memref<1x80x128xi32, #tpu.memory_space<hbm>>
      %dma_start3A_15 = tpu.memref_squeeze %dma_start3A_14 : memref<1x80x128xi32, #tpu.memory_space<hbm>> -> memref<80x128xi32, #tpu.memory_space<hbm>>
      tpu.enqueue_dma source(%dma_start3A_15 : memref<80x128xi32, #tpu.memory_space<hbm>>) target(%arg6 : memref<80x128xi32, #tpu.memory_space<vmem>>) target_semaphore(%run_scoped3A : memref<!tpu.dma_semaphore, #tpu.memory_space<semaphore_mem>>)
      %dma_wait3A = arith.constant 0 : i32
      %dma_wait3A_16 = arith.constant 0 : i32
      %dma_wait3A_17 = tpu.memref_slice %arg2[%add3A, %dma_wait3A, %dma_wait3A_16] : memref<32x80x128xi32, #tpu.memory_space<hbm>> -> memref<1x80x128xi32, #tpu.memory_space<hbm>>
      %dma_wait3A_18 = tpu.memref_squeeze %dma_wait3A_17 : memref<1x80x128xi32, #tpu.memory_space<hbm>> -> memref<80x128xi32, #tpu.memory_space<hbm>>
      %dma_wait3A_19 = arith.constant 0 : i32
      %dma_wait3A_20 = arith.constant 0 : i32
      %dma_wait3A_21 = tpu.memref_slice %arg2[%add3A, %dma_wait3A_19, %dma_wait3A_20] : memref<32x80x128xi32, #tpu.memory_space<hbm>> -> memref<1x80x128xi32, #tpu.memory_space<hbm>>
      %dma_wait3A_22 = tpu.memref_squeeze %dma_wait3A_21 : memref<1x80x128xi32, #tpu.memory_space<hbm>> -> memref<80x128xi32, #tpu.memory_space<hbm>>
      tpu.wait_dma2 semaphore(%run_scoped3A : memref<!tpu.dma_semaphore, #tpu.memory_space<semaphore_mem>>) src(%dma_wait3A_22 : memref<80x128xi32, #tpu.memory_space<hbm>>) dst(%arg6 : memref<80x128xi32, #tpu.memory_space<vmem>>)
      tpu.yield
    }) : () -> ()
    %barrier3A = arith.constant 0 : index
    tpu.barrier barrier_id(%barrier3A)
    %scan3A = arith.constant 0 : i32
    %scan3A_3 = arith.constant 0 : i32
    %scan3A_4 = arith.constant 80 : i32
    %scan3A_5 = arith.addi %scan3A_3, %scan3A_4 : i32
    %scan3A_6 = arith.constant 1 : i32
    scf.for %scan3A_9 = %scan3A_3 to %scan3A_5 step %scan3A_6  : i32 {
      "tpu.region"() ({
        %run_scoped3A = tpu.sem_alloc : memref<!tpu.dma_semaphore, #tpu.memory_space<semaphore_mem>>
        %dma_start3A = arith.constant 0 : i32
        %dma_start3A_10 = tpu.memref_slice %arg6[%scan3A_9, %dma_start3A] : memref<80x128xi32, #tpu.memory_space<vmem>> -> memref<1x128xi32, #tpu.memory_space<vmem>>
        %dma_start3A_11 = tpu.memref_squeeze %dma_start3A_10 : memref<1x128xi32, #tpu.memory_space<vmem>> -> memref<128xi32, #tpu.memory_space<vmem>>
        %dma_start3A_12 = arith.constant 0 : i32
        %dma_start3A_13 = arith.constant 0 : i32
        %dma_start3A_14 = tpu.memref_slice %arg8[%dma_start3A_12, %dma_start3A_13] : memref<10240x16xf32, #tpu.memory_space<vmem_shared>> -> memref<10240x16xf32, #tpu.memory_space<vmem_shared>>
        tpu.enqueue_indirect_dma source(%arg7 : memref<128x16xf32, #tpu.memory_space<vmem>>) target(%dma_start3A_14 : memref<10240x16xf32, #tpu.memory_space<vmem_shared>>) offsets(%dma_start3A_11 : memref<128xi32, #tpu.memory_space<vmem>>) semaphore(%run_scoped3A : memref<!tpu.dma_semaphore, #tpu.memory_space<semaphore_mem>>) {add = true}
        %dma_wait3A = arith.constant 0 : i32
        %dma_wait3A_15 = tpu.memref_slice %arg6[%scan3A_9, %dma_wait3A] : memref<80x128xi32, #tpu.memory_space<vmem>> -> memref<1x128xi32, #tpu.memory_space<vmem>>
        %dma_wait3A_16 = tpu.memref_squeeze %dma_wait3A_15 : memref<1x128xi32, #tpu.memory_space<vmem>> -> memref<128xi32, #tpu.memory_space<vmem>>
        %dma_wait3A_17 = arith.constant 0 : i32
        %dma_wait3A_18 = arith.constant 0 : i32
        %dma_wait3A_19 = tpu.memref_slice %arg8[%dma_wait3A_17, %dma_wait3A_18] : memref<10240x16xf32, #tpu.memory_space<vmem_shared>> -> memref<10240x16xf32, #tpu.memory_space<vmem_shared>>
        tpu.wait_indirect_dma semaphore(%run_scoped3A : memref<!tpu.dma_semaphore, #tpu.memory_space<semaphore_mem>>) src(%arg7 : memref<128x16xf32, #tpu.memory_space<vmem>>) dst(%dma_wait3A_19 : memref<10240x16xf32, #tpu.memory_space<vmem_shared>>)
        tpu.yield
      }) : () -> ()
    }
    %scan3A_7 = arith.constant 80 : i32
    %barrier3A_8 = arith.constant 0 : index
    tpu.barrier barrier_id(%barrier3A_8)
    "tpu.region"() ({
      %run_scoped3A = tpu.sem_alloc : memref<!tpu.dma_semaphore, #tpu.memory_space<semaphore_mem>>
      %dma_start3A = arith.constant 0 : i32
      %dma_start3A_9 = tpu.memref_slice %arg5[%arg0, %mul3A_2, %dma_start3A] : memref<2x10240x16xf32, #tpu.memory_space<hbm>> -> memref<1x640x16xf32, #tpu.memory_space<hbm>>
      %dma_start3A_10 = tpu.memref_squeeze %dma_start3A_9 : memref<1x640x16xf32, #tpu.memory_space<hbm>> -> memref<640x16xf32, #tpu.memory_space<hbm>>
      %dma_start3A_11 = arith.constant 0 : i32
      %dma_start3A_12 = tpu.memref_slice %arg8[%mul3A_2, %dma_start3A_11] : memref<10240x16xf32, #tpu.memory_space<vmem_shared>> -> memref<640x16xf32, #tpu.memory_space<vmem_shared>>
      tpu.enqueue_dma source(%dma_start3A_12 : memref<640x16xf32, #tpu.memory_space<vmem_shared>>) target(%dma_start3A_10 : memref<640x16xf32, #tpu.memory_space<hbm>>) target_semaphore(%run_scoped3A : memref<!tpu.dma_semaphore, #tpu.memory_space<semaphore_mem>>)
      %dma_wait3A = arith.constant 0 : i32
      %dma_wait3A_13 = tpu.memref_slice %arg5[%arg0, %mul3A_2, %dma_wait3A] : memref<2x10240x16xf32, #tpu.memory_space<hbm>> -> memref<1x640x16xf32, #tpu.memory_space<hbm>>
      %dma_wait3A_14 = tpu.memref_squeeze %dma_wait3A_13 : memref<1x640x16xf32, #tpu.memory_space<hbm>> -> memref<640x16xf32, #tpu.memory_space<hbm>>
      %dma_wait3A_15 = arith.constant 0 : i32
      %dma_wait3A_16 = tpu.memref_slice %arg8[%mul3A_2, %dma_wait3A_15] : memref<10240x16xf32, #tpu.memory_space<vmem_shared>> -> memref<640x16xf32, #tpu.memory_space<vmem_shared>>
      tpu.wait_dma2 semaphore(%run_scoped3A : memref<!tpu.dma_semaphore, #tpu.memory_space<semaphore_mem>>) src(%dma_wait3A_16 : memref<640x16xf32, #tpu.memory_space<vmem_shared>>) dst(%dma_wait3A_14 : memref<640x16xf32, #tpu.memory_space<hbm>>)
      tpu.yield
    }) : () -> ()
    return
  }
}

#map = affine_map<(d0, d1) -> (0, 0, 0)>
#map1 = affine_map<(d0, d1) -> (0, 0)>
module attributes {stable_mosaic.version = 14 : i64} {
  func.func @body(%arg0: i32, %arg1: i32, %arg2: memref<2x10240x64xf32, #tpu.memory_space<hbm>>, %arg3: memref<2560x128xi32, #tpu.memory_space<hbm>>, %arg4: memref<2560x128xi32, #tpu.memory_space<hbm>>, %arg5: memref<640x64xf32, #tpu.memory_space<hbm>>, %arg6: memref<2x10240x64xf32, #tpu.memory_space<hbm>>, %arg7: memref<160x128xi32, #tpu.memory_space<vmem>>, %arg8: memref<2x128xi32, #tpu.memory_space<vmem>>, %arg9: memref<128x64xf32, #tpu.memory_space<vmem>>, %arg10: memref<128x64xf32, #tpu.memory_space<vmem>>, %arg11: memref<10240x64xf32, #tpu.memory_space<vmem_shared>>, %arg12: memref<10240x64xf32, #tpu.memory_space<vmem_shared>>, %arg13: memref<!tpu.dma_semaphore, #tpu.memory_space<semaphore_mem>>, %arg14: memref<!tpu.dma_semaphore, #tpu.memory_space<semaphore_mem>>, %arg15: memref<!tpu.dma_semaphore, #tpu.memory_space<semaphore_mem>>, %arg16: memref<!tpu.dma_semaphore, #tpu.memory_space<semaphore_mem>>) attributes {dimension_semantics = [#tpu.dimension_semantics<core_parallel>, #tpu.dimension_semantics<subcore_parallel>], iteration_bounds = array<i64: 2, 16>, scalar_prefetch = 0 : i64, scratch_operands = 10 : i64, tpu.core_type = #tpu.core_type<sc_vector_subcore>, window_params = [{transform_indices = #map}, {transform_indices = #map1}, {transform_indices = #map1}, {transform_indices = #map1}, {transform_indices = #map}]} {
    %mul3A = arith.constant 640 : i32
    %mul3A_0 = arith.muli %arg1, %mul3A : i32
    "tpu.region"() ({
      %run_scoped3A = tpu.sem_alloc : memref<!tpu.dma_semaphore, #tpu.memory_space<semaphore_mem>>
      %dma_start3A = arith.constant 0 : i32
      %dma_start3A_9 = tpu.memref_slice %arg11[%mul3A_0, %dma_start3A] : memref<10240x64xf32, #tpu.memory_space<vmem_shared>> -> memref<640x64xf32, #tpu.memory_space<vmem_shared>>
      %dma_start3A_10 = arith.constant 0 : i32
      %dma_start3A_11 = tpu.memref_slice %arg2[%arg0, %mul3A_0, %dma_start3A_10] : memref<2x10240x64xf32, #tpu.memory_space<hbm>> -> memref<1x640x64xf32, #tpu.memory_space<hbm>>
      %dma_start3A_12 = tpu.memref_squeeze %dma_start3A_11 : memref<1x640x64xf32, #tpu.memory_space<hbm>> -> memref<640x64xf32, #tpu.memory_space<hbm>>
      tpu.enqueue_dma source(%dma_start3A_12 : memref<640x64xf32, #tpu.memory_space<hbm>>) target(%dma_start3A_9 : memref<640x64xf32, #tpu.memory_space<vmem_shared>>) target_semaphore(%run_scoped3A : memref<!tpu.dma_semaphore, #tpu.memory_space<semaphore_mem>>)
      %dma_wait3A = arith.constant 0 : i32
      %dma_wait3A_13 = tpu.memref_slice %arg11[%mul3A_0, %dma_wait3A] : memref<10240x64xf32, #tpu.memory_space<vmem_shared>> -> memref<640x64xf32, #tpu.memory_space<vmem_shared>>
      %dma_wait3A_14 = arith.constant 0 : i32
      %dma_wait3A_15 = tpu.memref_slice %arg2[%arg0, %mul3A_0, %dma_wait3A_14] : memref<2x10240x64xf32, #tpu.memory_space<hbm>> -> memref<1x640x64xf32, #tpu.memory_space<hbm>>
      %dma_wait3A_16 = tpu.memref_squeeze %dma_wait3A_15 : memref<1x640x64xf32, #tpu.memory_space<hbm>> -> memref<640x64xf32, #tpu.memory_space<hbm>>
      tpu.wait_dma2 semaphore(%run_scoped3A : memref<!tpu.dma_semaphore, #tpu.memory_space<semaphore_mem>>) src(%dma_wait3A_16 : memref<640x64xf32, #tpu.memory_space<hbm>>) dst(%dma_wait3A_13 : memref<640x64xf32, #tpu.memory_space<vmem_shared>>)
      tpu.yield
    }) : () -> ()
    "tpu.region"() ({
      %run_scoped3A = tpu.sem_alloc : memref<!tpu.dma_semaphore, #tpu.memory_space<semaphore_mem>>
      %dma_start3A = arith.constant 0 : i32
      %dma_start3A_9 = tpu.memref_slice %arg12[%mul3A_0, %dma_start3A] : memref<10240x64xf32, #tpu.memory_space<vmem_shared>> -> memref<640x64xf32, #tpu.memory_space<vmem_shared>>
      tpu.enqueue_dma source(%arg5 : memref<640x64xf32, #tpu.memory_space<hbm>>) target(%dma_start3A_9 : memref<640x64xf32, #tpu.memory_space<vmem_shared>>) target_semaphore(%run_scoped3A : memref<!tpu.dma_semaphore, #tpu.memory_space<semaphore_mem>>)
      %dma_wait3A = arith.constant 0 : i32
      %dma_wait3A_10 = tpu.memref_slice %arg12[%mul3A_0, %dma_wait3A] : memref<10240x64xf32, #tpu.memory_space<vmem_shared>> -> memref<640x64xf32, #tpu.memory_space<vmem_shared>>
      tpu.wait_dma2 semaphore(%run_scoped3A : memref<!tpu.dma_semaphore, #tpu.memory_space<semaphore_mem>>) src(%arg5 : memref<640x64xf32, #tpu.memory_space<hbm>>) dst(%dma_wait3A_10 : memref<640x64xf32, #tpu.memory_space<vmem_shared>>)
      tpu.yield
    }) : () -> ()
    %mul3A_1 = arith.constant 160 : i32
    %mul3A_2 = arith.muli %arg1, %mul3A_1 : i32
    "tpu.region"() ({
      %run_scoped3A = tpu.sem_alloc : memref<!tpu.dma_semaphore, #tpu.memory_space<semaphore_mem>>
      %dma_start3A = arith.constant 0 : i32
      %dma_start3A_9 = tpu.memref_slice %arg3[%mul3A_2, %dma_start3A] : memref<2560x128xi32, #tpu.memory_space<hbm>> -> memref<160x128xi32, #tpu.memory_space<hbm>>
      %dma_start3A_10 = arith.constant 0 : i32
      %dma_start3A_11 = tpu.memref_slice %arg3[%mul3A_2, %dma_start3A_10] : memref<2560x128xi32, #tpu.memory_space<hbm>> -> memref<160x128xi32, #tpu.memory_space<hbm>>
      tpu.enqueue_dma source(%dma_start3A_11 : memref<160x128xi32, #tpu.memory_space<hbm>>) target(%arg7 : memref<160x128xi32, #tpu.memory_space<vmem>>) target_semaphore(%run_scoped3A : memref<!tpu.dma_semaphore, #tpu.memory_space<semaphore_mem>>)
      %dma_wait3A = arith.constant 0 : i32
      %dma_wait3A_12 = tpu.memref_slice %arg3[%mul3A_2, %dma_wait3A] : memref<2560x128xi32, #tpu.memory_space<hbm>> -> memref<160x128xi32, #tpu.memory_space<hbm>>
      %dma_wait3A_13 = arith.constant 0 : i32
      %dma_wait3A_14 = tpu.memref_slice %arg3[%mul3A_2, %dma_wait3A_13] : memref<2560x128xi32, #tpu.memory_space<hbm>> -> memref<160x128xi32, #tpu.memory_space<hbm>>
      tpu.wait_dma2 semaphore(%run_scoped3A : memref<!tpu.dma_semaphore, #tpu.memory_space<semaphore_mem>>) src(%dma_wait3A_14 : memref<160x128xi32, #tpu.memory_space<hbm>>) dst(%arg7 : memref<160x128xi32, #tpu.memory_space<vmem>>)
      tpu.yield
    }) : () -> ()
    %barrier3A = arith.constant 0 : index
    tpu.barrier barrier_id(%barrier3A)
    %scan3A = arith.constant 0 : i32
    %scan3A_3 = arith.constant 0 : i32
    %scan3A_4 = arith.constant 80 : i32
    %scan3A_5 = arith.addi %scan3A_3, %scan3A_4 : i32
    %scan3A_6 = arith.constant 1 : i32
    scf.for %scan3A_9 = %scan3A_3 to %scan3A_5 step %scan3A_6  : i32 {
      %mul3A_10 = arith.constant 2 : i32
      %mul3A_11 = arith.muli %scan3A_9, %mul3A_10 : i32
      %add3A = arith.constant 0 : i32
      %add3A_12 = arith.addi %mul3A_11, %add3A : i32
      %dma_start3A = arith.constant 0 : i32
      %dma_start3A_13 = tpu.memref_slice %arg7[%add3A_12, %dma_start3A] : memref<160x128xi32, #tpu.memory_space<vmem>> -> memref<1x128xi32, #tpu.memory_space<vmem>>
      %dma_start3A_14 = tpu.memref_squeeze %dma_start3A_13 : memref<1x128xi32, #tpu.memory_space<vmem>> -> memref<128xi32, #tpu.memory_space<vmem>>
      %dma_start3A_15 = arith.constant 0 : i32
      %dma_start3A_16 = arith.constant 0 : i32
      %dma_start3A_17 = tpu.memref_slice %arg11[%dma_start3A_15, %dma_start3A_16] : memref<10240x64xf32, #tpu.memory_space<vmem_shared>> -> memref<10240x64xf32, #tpu.memory_space<vmem_shared>>
      tpu.enqueue_indirect_dma source(%dma_start3A_17 : memref<10240x64xf32, #tpu.memory_space<vmem_shared>>) target(%arg9 : memref<128x64xf32, #tpu.memory_space<vmem>>) offsets(%dma_start3A_14 : memref<128xi32, #tpu.memory_space<vmem>>) semaphore(%arg13 : memref<!tpu.dma_semaphore, #tpu.memory_space<semaphore_mem>>)
      %add3A_18 = arith.constant 1 : i32
      %add3A_19 = arith.addi %mul3A_11, %add3A_18 : i32
      %dma_start3A_20 = arith.constant 0 : i32
      %dma_start3A_21 = tpu.memref_slice %arg7[%add3A_19, %dma_start3A_20] : memref<160x128xi32, #tpu.memory_space<vmem>> -> memref<1x128xi32, #tpu.memory_space<vmem>>
      %dma_start3A_22 = tpu.memref_squeeze %dma_start3A_21 : memref<1x128xi32, #tpu.memory_space<vmem>> -> memref<128xi32, #tpu.memory_space<vmem>>
      %dma_start3A_23 = arith.constant 0 : i32
      %dma_start3A_24 = arith.constant 0 : i32
      %dma_start3A_25 = tpu.memref_slice %arg11[%dma_start3A_23, %dma_start3A_24] : memref<10240x64xf32, #tpu.memory_space<vmem_shared>> -> memref<10240x64xf32, #tpu.memory_space<vmem_shared>>
      tpu.enqueue_indirect_dma source(%dma_start3A_25 : memref<10240x64xf32, #tpu.memory_space<vmem_shared>>) target(%arg10 : memref<128x64xf32, #tpu.memory_space<vmem>>) offsets(%dma_start3A_22 : memref<128xi32, #tpu.memory_space<vmem>>) semaphore(%arg14 : memref<!tpu.dma_semaphore, #tpu.memory_space<semaphore_mem>>)
      %mul3A_26 = arith.constant 160 : i32
      %mul3A_27 = arith.muli %arg1, %mul3A_26 : i32
      %add3A_28 = arith.addi %mul3A_27, %mul3A_11 : i32
      "tpu.region"() ({
        %run_scoped3A = tpu.sem_alloc : memref<!tpu.dma_semaphore, #tpu.memory_space<semaphore_mem>>
        %dma_start3A_68 = arith.constant 0 : i32
        %dma_start3A_69 = tpu.memref_slice %arg4[%add3A_28, %dma_start3A_68] : memref<2560x128xi32, #tpu.memory_space<hbm>> -> memref<2x128xi32, #tpu.memory_space<hbm>>
        %dma_start3A_70 = arith.constant 0 : i32
        %dma_start3A_71 = tpu.memref_slice %arg4[%add3A_28, %dma_start3A_70] : memref<2560x128xi32, #tpu.memory_space<hbm>> -> memref<2x128xi32, #tpu.memory_space<hbm>>
        tpu.enqueue_dma source(%dma_start3A_71 : memref<2x128xi32, #tpu.memory_space<hbm>>) target(%arg8 : memref<2x128xi32, #tpu.memory_space<vmem>>) target_semaphore(%run_scoped3A : memref<!tpu.dma_semaphore, #tpu.memory_space<semaphore_mem>>)
        %dma_wait3A_72 = arith.constant 0 : i32
        %dma_wait3A_73 = tpu.memref_slice %arg4[%add3A_28, %dma_wait3A_72] : memref<2560x128xi32, #tpu.memory_space<hbm>> -> memref<2x128xi32, #tpu.memory_space<hbm>>
        %dma_wait3A_74 = arith.constant 0 : i32
        %dma_wait3A_75 = tpu.memref_slice %arg4[%add3A_28, %dma_wait3A_74] : memref<2560x128xi32, #tpu.memory_space<hbm>> -> memref<2x128xi32, #tpu.memory_space<hbm>>
        tpu.wait_dma2 semaphore(%run_scoped3A : memref<!tpu.dma_semaphore, #tpu.memory_space<semaphore_mem>>) src(%dma_wait3A_75 : memref<2x128xi32, #tpu.memory_space<hbm>>) dst(%arg8 : memref<2x128xi32, #tpu.memory_space<vmem>>)
        tpu.yield
      }) : () -> ()
      %dma_wait3A = arith.constant 0 : i32
      %dma_wait3A_29 = tpu.memref_slice %arg7[%add3A_12, %dma_wait3A] : memref<160x128xi32, #tpu.memory_space<vmem>> -> memref<1x128xi32, #tpu.memory_space<vmem>>
      %dma_wait3A_30 = tpu.memref_squeeze %dma_wait3A_29 : memref<1x128xi32, #tpu.memory_space<vmem>> -> memref<128xi32, #tpu.memory_space<vmem>>
      %dma_wait3A_31 = arith.constant 0 : i32
      %dma_wait3A_32 = arith.constant 0 : i32
      %dma_wait3A_33 = tpu.memref_slice %arg11[%dma_wait3A_31, %dma_wait3A_32] : memref<10240x64xf32, #tpu.memory_space<vmem_shared>> -> memref<10240x64xf32, #tpu.memory_space<vmem_shared>>
      tpu.wait_indirect_dma semaphore(%arg13 : memref<!tpu.dma_semaphore, #tpu.memory_space<semaphore_mem>>) src(%dma_wait3A_33 : memref<10240x64xf32, #tpu.memory_space<vmem_shared>>) dst(%arg9 : memref<128x64xf32, #tpu.memory_space<vmem>>)
      %dma_start3A_34 = arith.constant 0 : i32
      %dma_start3A_35 = arith.constant 0 : i32
      %dma_start3A_36 = tpu.memref_slice %arg8[%dma_start3A_34, %dma_start3A_35] : memref<2x128xi32, #tpu.memory_space<vmem>> -> memref<1x128xi32, #tpu.memory_space<vmem>>
      %dma_start3A_37 = tpu.memref_squeeze %dma_start3A_36 : memref<1x128xi32, #tpu.memory_space<vmem>> -> memref<128xi32, #tpu.memory_space<vmem>>
      %dma_start3A_38 = arith.constant 0 : i32
      %dma_start3A_39 = arith.constant 0 : i32
      %dma_start3A_40 = tpu.memref_slice %arg12[%dma_start3A_38, %dma_start3A_39] : memref<10240x64xf32, #tpu.memory_space<vmem_shared>> -> memref<10240x64xf32, #tpu.memory_space<vmem_shared>>
      tpu.enqueue_indirect_dma source(%arg9 : memref<128x64xf32, #tpu.memory_space<vmem>>) target(%dma_start3A_40 : memref<10240x64xf32, #tpu.memory_space<vmem_shared>>) offsets(%dma_start3A_37 : memref<128xi32, #tpu.memory_space<vmem>>) semaphore(%arg15 : memref<!tpu.dma_semaphore, #tpu.memory_space<semaphore_mem>>) {add = true}
      %dma_wait3A_41 = arith.constant 0 : i32
      %dma_wait3A_42 = tpu.memref_slice %arg7[%add3A_19, %dma_wait3A_41] : memref<160x128xi32, #tpu.memory_space<vmem>> -> memref<1x128xi32, #tpu.memory_space<vmem>>
      %dma_wait3A_43 = tpu.memref_squeeze %dma_wait3A_42 : memref<1x128xi32, #tpu.memory_space<vmem>> -> memref<128xi32, #tpu.memory_space<vmem>>
      %dma_wait3A_44 = arith.constant 0 : i32
      %dma_wait3A_45 = arith.constant 0 : i32
      %dma_wait3A_46 = tpu.memref_slice %arg11[%dma_wait3A_44, %dma_wait3A_45] : memref<10240x64xf32, #tpu.memory_space<vmem_shared>> -> memref<10240x64xf32, #tpu.memory_space<vmem_shared>>
      tpu.wait_indirect_dma semaphore(%arg14 : memref<!tpu.dma_semaphore, #tpu.memory_space<semaphore_mem>>) src(%dma_wait3A_46 : memref<10240x64xf32, #tpu.memory_space<vmem_shared>>) dst(%arg10 : memref<128x64xf32, #tpu.memory_space<vmem>>)
      %dma_start3A_47 = arith.constant 1 : i32
      %dma_start3A_48 = arith.constant 0 : i32
      %dma_start3A_49 = tpu.memref_slice %arg8[%dma_start3A_47, %dma_start3A_48] : memref<2x128xi32, #tpu.memory_space<vmem>> -> memref<1x128xi32, #tpu.memory_space<vmem>>
      %dma_start3A_50 = tpu.memref_squeeze %dma_start3A_49 : memref<1x128xi32, #tpu.memory_space<vmem>> -> memref<128xi32, #tpu.memory_space<vmem>>
      %dma_start3A_51 = arith.constant 0 : i32
      %dma_start3A_52 = arith.constant 0 : i32
      %dma_start3A_53 = tpu.memref_slice %arg12[%dma_start3A_51, %dma_start3A_52] : memref<10240x64xf32, #tpu.memory_space<vmem_shared>> -> memref<10240x64xf32, #tpu.memory_space<vmem_shared>>
      tpu.enqueue_indirect_dma source(%arg10 : memref<128x64xf32, #tpu.memory_space<vmem>>) target(%dma_start3A_53 : memref<10240x64xf32, #tpu.memory_space<vmem_shared>>) offsets(%dma_start3A_50 : memref<128xi32, #tpu.memory_space<vmem>>) semaphore(%arg16 : memref<!tpu.dma_semaphore, #tpu.memory_space<semaphore_mem>>) {add = true}
      %dma_wait3A_54 = arith.constant 0 : i32
      %dma_wait3A_55 = arith.constant 0 : i32
      %dma_wait3A_56 = tpu.memref_slice %arg8[%dma_wait3A_54, %dma_wait3A_55] : memref<2x128xi32, #tpu.memory_space<vmem>> -> memref<1x128xi32, #tpu.memory_space<vmem>>
      %dma_wait3A_57 = tpu.memref_squeeze %dma_wait3A_56 : memref<1x128xi32, #tpu.memory_space<vmem>> -> memref<128xi32, #tpu.memory_space<vmem>>
      %dma_wait3A_58 = arith.constant 0 : i32
      %dma_wait3A_59 = arith.constant 0 : i32
      %dma_wait3A_60 = tpu.memref_slice %arg12[%dma_wait3A_58, %dma_wait3A_59] : memref<10240x64xf32, #tpu.memory_space<vmem_shared>> -> memref<10240x64xf32, #tpu.memory_space<vmem_shared>>
      tpu.wait_indirect_dma semaphore(%arg15 : memref<!tpu.dma_semaphore, #tpu.memory_space<semaphore_mem>>) src(%arg9 : memref<128x64xf32, #tpu.memory_space<vmem>>) dst(%dma_wait3A_60 : memref<10240x64xf32, #tpu.memory_space<vmem_shared>>)
      %dma_wait3A_61 = arith.constant 1 : i32
      %dma_wait3A_62 = arith.constant 0 : i32
      %dma_wait3A_63 = tpu.memref_slice %arg8[%dma_wait3A_61, %dma_wait3A_62] : memref<2x128xi32, #tpu.memory_space<vmem>> -> memref<1x128xi32, #tpu.memory_space<vmem>>
      %dma_wait3A_64 = tpu.memref_squeeze %dma_wait3A_63 : memref<1x128xi32, #tpu.memory_space<vmem>> -> memref<128xi32, #tpu.memory_space<vmem>>
      %dma_wait3A_65 = arith.constant 0 : i32
      %dma_wait3A_66 = arith.constant 0 : i32
      %dma_wait3A_67 = tpu.memref_slice %arg12[%dma_wait3A_65, %dma_wait3A_66] : memref<10240x64xf32, #tpu.memory_space<vmem_shared>> -> memref<10240x64xf32, #tpu.memory_space<vmem_shared>>
      tpu.wait_indirect_dma semaphore(%arg16 : memref<!tpu.dma_semaphore, #tpu.memory_space<semaphore_mem>>) src(%arg10 : memref<128x64xf32, #tpu.memory_space<vmem>>) dst(%dma_wait3A_67 : memref<10240x64xf32, #tpu.memory_space<vmem_shared>>)
    }
    %scan3A_7 = arith.constant 80 : i32
    %barrier3A_8 = arith.constant 0 : index
    tpu.barrier barrier_id(%barrier3A_8)
    "tpu.region"() ({
      %run_scoped3A = tpu.sem_alloc : memref<!tpu.dma_semaphore, #tpu.memory_space<semaphore_mem>>
      %dma_start3A = arith.constant 0 : i32
      %dma_start3A_9 = tpu.memref_slice %arg6[%arg0, %mul3A_0, %dma_start3A] : memref<2x10240x64xf32, #tpu.memory_space<hbm>> -> memref<1x640x64xf32, #tpu.memory_space<hbm>>
      %dma_start3A_10 = tpu.memref_squeeze %dma_start3A_9 : memref<1x640x64xf32, #tpu.memory_space<hbm>> -> memref<640x64xf32, #tpu.memory_space<hbm>>
      %dma_start3A_11 = arith.constant 0 : i32
      %dma_start3A_12 = tpu.memref_slice %arg12[%mul3A_0, %dma_start3A_11] : memref<10240x64xf32, #tpu.memory_space<vmem_shared>> -> memref<640x64xf32, #tpu.memory_space<vmem_shared>>
      tpu.enqueue_dma source(%dma_start3A_12 : memref<640x64xf32, #tpu.memory_space<vmem_shared>>) target(%dma_start3A_10 : memref<640x64xf32, #tpu.memory_space<hbm>>) target_semaphore(%run_scoped3A : memref<!tpu.dma_semaphore, #tpu.memory_space<semaphore_mem>>)
      %dma_wait3A = arith.constant 0 : i32
      %dma_wait3A_13 = tpu.memref_slice %arg6[%arg0, %mul3A_0, %dma_wait3A] : memref<2x10240x64xf32, #tpu.memory_space<hbm>> -> memref<1x640x64xf32, #tpu.memory_space<hbm>>
      %dma_wait3A_14 = tpu.memref_squeeze %dma_wait3A_13 : memref<1x640x64xf32, #tpu.memory_space<hbm>> -> memref<640x64xf32, #tpu.memory_space<hbm>>
      %dma_wait3A_15 = arith.constant 0 : i32
      %dma_wait3A_16 = tpu.memref_slice %arg12[%mul3A_0, %dma_wait3A_15] : memref<10240x64xf32, #tpu.memory_space<vmem_shared>> -> memref<640x64xf32, #tpu.memory_space<vmem_shared>>
      tpu.wait_dma2 semaphore(%run_scoped3A : memref<!tpu.dma_semaphore, #tpu.memory_space<semaphore_mem>>) src(%dma_wait3A_16 : memref<640x64xf32, #tpu.memory_space<vmem_shared>>) dst(%dma_wait3A_14 : memref<640x64xf32, #tpu.memory_space<hbm>>)
      tpu.yield
    }) : () -> ()
    return
  }
}

#map = affine_map<(d0, d1) -> (0, 0)>
#map1 = affine_map<(d0, d1) -> (0, 0, 0)>
module attributes {stable_mosaic.version = 14 : i64} {
  func.func @body(%arg0: i32, %arg1: i32, %arg2: memref<10240x16xf32, #tpu.memory_space<hbm>>, %arg3: memref<2560x128xi32, #tpu.memory_space<hbm>>, %arg4: memref<2560x128xi32, #tpu.memory_space<hbm>>, %arg5: memref<640x16xf32, #tpu.memory_space<hbm>>, %arg6: memref<2x10240x16xf32, #tpu.memory_space<hbm>>, %arg7: memref<80x128xi32, #tpu.memory_space<vmem>>, %arg8: memref<8x128xi32, #tpu.memory_space<vmem>>, %arg9: memref<128x16xf32, #tpu.memory_space<vmem>>, %arg10: memref<128x16xf32, #tpu.memory_space<vmem>>, %arg11: memref<128x16xf32, #tpu.memory_space<vmem>>, %arg12: memref<128x16xf32, #tpu.memory_space<vmem>>, %arg13: memref<128x16xf32, #tpu.memory_space<vmem>>, %arg14: memref<128x16xf32, #tpu.memory_space<vmem>>, %arg15: memref<128x16xf32, #tpu.memory_space<vmem>>, %arg16: memref<128x16xf32, #tpu.memory_space<vmem>>, %arg17: memref<10240x16xf32, #tpu.memory_space<vmem_shared>>, %arg18: memref<10240x16xf32, #tpu.memory_space<vmem_shared>>, %arg19: memref<!tpu.dma_semaphore, #tpu.memory_space<semaphore_mem>>, %arg20: memref<!tpu.dma_semaphore, #tpu.memory_space<semaphore_mem>>, %arg21: memref<!tpu.dma_semaphore, #tpu.memory_space<semaphore_mem>>, %arg22: memref<!tpu.dma_semaphore, #tpu.memory_space<semaphore_mem>>, %arg23: memref<!tpu.dma_semaphore, #tpu.memory_space<semaphore_mem>>, %arg24: memref<!tpu.dma_semaphore, #tpu.memory_space<semaphore_mem>>, %arg25: memref<!tpu.dma_semaphore, #tpu.memory_space<semaphore_mem>>, %arg26: memref<!tpu.dma_semaphore, #tpu.memory_space<semaphore_mem>>, %arg27: memref<!tpu.dma_semaphore, #tpu.memory_space<semaphore_mem>>, %arg28: memref<!tpu.dma_semaphore, #tpu.memory_space<semaphore_mem>>, %arg29: memref<!tpu.dma_semaphore, #tpu.memory_space<semaphore_mem>>, %arg30: memref<!tpu.dma_semaphore, #tpu.memory_space<semaphore_mem>>, %arg31: memref<!tpu.dma_semaphore, #tpu.memory_space<semaphore_mem>>, %arg32: memref<!tpu.dma_semaphore, #tpu.memory_space<semaphore_mem>>, %arg33: memref<!tpu.dma_semaphore, #tpu.memory_space<semaphore_mem>>, %arg34: memref<!tpu.dma_semaphore, #tpu.memory_space<semaphore_mem>>) attributes {dimension_semantics = [#tpu.dimension_semantics<core_parallel>, #tpu.dimension_semantics<subcore_parallel>], iteration_bounds = array<i64: 2, 16>, scalar_prefetch = 0 : i64, scratch_operands = 28 : i64, tpu.core_type = #tpu.core_type<sc_vector_subcore>, window_params = [{transform_indices = #map}, {transform_indices = #map}, {transform_indices = #map}, {transform_indices = #map}, {transform_indices = #map1}]} {
    %mul3A = arith.constant 16 : i32
    %mul3A_0 = arith.muli %arg0, %mul3A : i32
    %add3A = arith.addi %mul3A_0, %arg1 : i32
    %mul3A_1 = arith.constant 640 : i32
    %mul3A_2 = arith.muli %arg1, %mul3A_1 : i32
    "tpu.region"() ({
      %run_scoped3A = tpu.sem_alloc : memref<!tpu.dma_semaphore, #tpu.memory_space<semaphore_mem>>
      %dma_start3A = arith.constant 0 : i32
      %dma_start3A_11 = tpu.memref_slice %arg17[%mul3A_2, %dma_start3A] : memref<10240x16xf32, #tpu.memory_space<vmem_shared>> -> memref<640x16xf32, #tpu.memory_space<vmem_shared>>
      %dma_start3A_12 = arith.constant 0 : i32
      %dma_start3A_13 = tpu.memref_slice %arg2[%mul3A_2, %dma_start3A_12] : memref<10240x16xf32, #tpu.memory_space<hbm>> -> memref<640x16xf32, #tpu.memory_space<hbm>>
      tpu.enqueue_dma source(%dma_start3A_13 : memref<640x16xf32, #tpu.memory_space<hbm>>) target(%dma_start3A_11 : memref<640x16xf32, #tpu.memory_space<vmem_shared>>) target_semaphore(%run_scoped3A : memref<!tpu.dma_semaphore, #tpu.memory_space<semaphore_mem>>)
      %dma_wait3A = arith.constant 0 : i32
      %dma_wait3A_14 = tpu.memref_slice %arg17[%mul3A_2, %dma_wait3A] : memref<10240x16xf32, #tpu.memory_space<vmem_shared>> -> memref<640x16xf32, #tpu.memory_space<vmem_shared>>
      %dma_wait3A_15 = arith.constant 0 : i32
      %dma_wait3A_16 = tpu.memref_slice %arg2[%mul3A_2, %dma_wait3A_15] : memref<10240x16xf32, #tpu.memory_space<hbm>> -> memref<640x16xf32, #tpu.memory_space<hbm>>
      tpu.wait_dma2 semaphore(%run_scoped3A : memref<!tpu.dma_semaphore, #tpu.memory_space<semaphore_mem>>) src(%dma_wait3A_16 : memref<640x16xf32, #tpu.memory_space<hbm>>) dst(%dma_wait3A_14 : memref<640x16xf32, #tpu.memory_space<vmem_shared>>)
      tpu.yield
    }) : () -> ()
    "tpu.region"() ({
      %run_scoped3A = tpu.sem_alloc : memref<!tpu.dma_semaphore, #tpu.memory_space<semaphore_mem>>
      %dma_start3A = arith.constant 0 : i32
      %dma_start3A_11 = tpu.memref_slice %arg18[%mul3A_2, %dma_start3A] : memref<10240x16xf32, #tpu.memory_space<vmem_shared>> -> memref<640x16xf32, #tpu.memory_space<vmem_shared>>
      tpu.enqueue_dma source(%arg5 : memref<640x16xf32, #tpu.memory_space<hbm>>) target(%dma_start3A_11 : memref<640x16xf32, #tpu.memory_space<vmem_shared>>) target_semaphore(%run_scoped3A : memref<!tpu.dma_semaphore, #tpu.memory_space<semaphore_mem>>)
      %dma_wait3A = arith.constant 0 : i32
      %dma_wait3A_12 = tpu.memref_slice %arg18[%mul3A_2, %dma_wait3A] : memref<10240x16xf32, #tpu.memory_space<vmem_shared>> -> memref<640x16xf32, #tpu.memory_space<vmem_shared>>
      tpu.wait_dma2 semaphore(%run_scoped3A : memref<!tpu.dma_semaphore, #tpu.memory_space<semaphore_mem>>) src(%arg5 : memref<640x16xf32, #tpu.memory_space<hbm>>) dst(%dma_wait3A_12 : memref<640x16xf32, #tpu.memory_space<vmem_shared>>)
      tpu.yield
    }) : () -> ()
    %mul3A_3 = arith.constant 80 : i32
    %mul3A_4 = arith.muli %add3A, %mul3A_3 : i32
    "tpu.region"() ({
      %run_scoped3A = tpu.sem_alloc : memref<!tpu.dma_semaphore, #tpu.memory_space<semaphore_mem>>
      %dma_start3A = arith.constant 0 : i32
      %dma_start3A_11 = tpu.memref_slice %arg3[%mul3A_4, %dma_start3A] : memref<2560x128xi32, #tpu.memory_space<hbm>> -> memref<80x128xi32, #tpu.memory_space<hbm>>
      %dma_start3A_12 = arith.constant 0 : i32
      %dma_start3A_13 = tpu.memref_slice %arg3[%mul3A_4, %dma_start3A_12] : memref<2560x128xi32, #tpu.memory_space<hbm>> -> memref<80x128xi32, #tpu.memory_space<hbm>>
      tpu.enqueue_dma source(%dma_start3A_13 : memref<80x128xi32, #tpu.memory_space<hbm>>) target(%arg7 : memref<80x128xi32, #tpu.memory_space<vmem>>) target_semaphore(%run_scoped3A : memref<!tpu.dma_semaphore, #tpu.memory_space<semaphore_mem>>)
      %dma_wait3A = arith.constant 0 : i32
      %dma_wait3A_14 = tpu.memref_slice %arg3[%mul3A_4, %dma_wait3A] : memref<2560x128xi32, #tpu.memory_space<hbm>> -> memref<80x128xi32, #tpu.memory_space<hbm>>
      %dma_wait3A_15 = arith.constant 0 : i32
      %dma_wait3A_16 = tpu.memref_slice %arg3[%mul3A_4, %dma_wait3A_15] : memref<2560x128xi32, #tpu.memory_space<hbm>> -> memref<80x128xi32, #tpu.memory_space<hbm>>
      tpu.wait_dma2 semaphore(%run_scoped3A : memref<!tpu.dma_semaphore, #tpu.memory_space<semaphore_mem>>) src(%dma_wait3A_16 : memref<80x128xi32, #tpu.memory_space<hbm>>) dst(%arg7 : memref<80x128xi32, #tpu.memory_space<vmem>>)
      tpu.yield
    }) : () -> ()
    %barrier3A = arith.constant 0 : index
    tpu.barrier barrier_id(%barrier3A)
    %scan3A = arith.constant 0 : i32
    %scan3A_5 = arith.constant 0 : i32
    %scan3A_6 = arith.constant 10 : i32
    %scan3A_7 = arith.addi %scan3A_5, %scan3A_6 : i32
    %scan3A_8 = arith.constant 1 : i32
    scf.for %scan3A_11 = %scan3A_5 to %scan3A_7 step %scan3A_8  : i32 {
      %mul3A_12 = arith.constant 8 : i32
      %mul3A_13 = arith.muli %scan3A_11, %mul3A_12 : i32
      %add3A_14 = arith.constant 0 : i32
      %add3A_15 = arith.addi %mul3A_13, %add3A_14 : i32
      %dma_start3A = arith.constant 0 : i32
      %dma_start3A_16 = tpu.memref_slice %arg7[%add3A_15, %dma_start3A] : memref<80x128xi32, #tpu.memory_space<vmem>> -> memref<1x128xi32, #tpu.memory_space<vmem>>
      %dma_start3A_17 = tpu.memref_squeeze %dma_start3A_16 : memref<1x128xi32, #tpu.memory_space<vmem>> -> memref<128xi32, #tpu.memory_space<vmem>>
      %dma_start3A_18 = arith.constant 0 : i32
      %dma_start3A_19 = arith.constant 0 : i32
      %dma_start3A_20 = tpu.memref_slice %arg17[%dma_start3A_18, %dma_start3A_19] : memref<10240x16xf32, #tpu.memory_space<vmem_shared>> -> memref<10240x16xf32, #tpu.memory_space<vmem_shared>>
      tpu.enqueue_indirect_dma source(%dma_start3A_20 : memref<10240x16xf32, #tpu.memory_space<vmem_shared>>) target(%arg9 : memref<128x16xf32, #tpu.memory_space<vmem>>) offsets(%dma_start3A_17 : memref<128xi32, #tpu.memory_space<vmem>>) semaphore(%arg19 : memref<!tpu.dma_semaphore, #tpu.memory_space<semaphore_mem>>)
      %add3A_21 = arith.constant 1 : i32
      %add3A_22 = arith.addi %mul3A_13, %add3A_21 : i32
      %dma_start3A_23 = arith.constant 0 : i32
      %dma_start3A_24 = tpu.memref_slice %arg7[%add3A_22, %dma_start3A_23] : memref<80x128xi32, #tpu.memory_space<vmem>> -> memref<1x128xi32, #tpu.memory_space<vmem>>
      %dma_start3A_25 = tpu.memref_squeeze %dma_start3A_24 : memref<1x128xi32, #tpu.memory_space<vmem>> -> memref<128xi32, #tpu.memory_space<vmem>>
      %dma_start3A_26 = arith.constant 0 : i32
      %dma_start3A_27 = arith.constant 0 : i32
      %dma_start3A_28 = tpu.memref_slice %arg17[%dma_start3A_26, %dma_start3A_27] : memref<10240x16xf32, #tpu.memory_space<vmem_shared>> -> memref<10240x16xf32, #tpu.memory_space<vmem_shared>>
      tpu.enqueue_indirect_dma source(%dma_start3A_28 : memref<10240x16xf32, #tpu.memory_space<vmem_shared>>) target(%arg10 : memref<128x16xf32, #tpu.memory_space<vmem>>) offsets(%dma_start3A_25 : memref<128xi32, #tpu.memory_space<vmem>>) semaphore(%arg20 : memref<!tpu.dma_semaphore, #tpu.memory_space<semaphore_mem>>)
      %add3A_29 = arith.constant 2 : i32
      %add3A_30 = arith.addi %mul3A_13, %add3A_29 : i32
      %dma_start3A_31 = arith.constant 0 : i32
      %dma_start3A_32 = tpu.memref_slice %arg7[%add3A_30, %dma_start3A_31] : memref<80x128xi32, #tpu.memory_space<vmem>> -> memref<1x128xi32, #tpu.memory_space<vmem>>
      %dma_start3A_33 = tpu.memref_squeeze %dma_start3A_32 : memref<1x128xi32, #tpu.memory_space<vmem>> -> memref<128xi32, #tpu.memory_space<vmem>>
      %dma_start3A_34 = arith.constant 0 : i32
      %dma_start3A_35 = arith.constant 0 : i32
      %dma_start3A_36 = tpu.memref_slice %arg17[%dma_start3A_34, %dma_start3A_35] : memref<10240x16xf32, #tpu.memory_space<vmem_shared>> -> memref<10240x16xf32, #tpu.memory_space<vmem_shared>>
      tpu.enqueue_indirect_dma source(%dma_start3A_36 : memref<10240x16xf32, #tpu.memory_space<vmem_shared>>) target(%arg11 : memref<128x16xf32, #tpu.memory_space<vmem>>) offsets(%dma_start3A_33 : memref<128xi32, #tpu.memory_space<vmem>>) semaphore(%arg21 : memref<!tpu.dma_semaphore, #tpu.memory_space<semaphore_mem>>)
      %add3A_37 = arith.constant 3 : i32
      %add3A_38 = arith.addi %mul3A_13, %add3A_37 : i32
      %dma_start3A_39 = arith.constant 0 : i32
      %dma_start3A_40 = tpu.memref_slice %arg7[%add3A_38, %dma_start3A_39] : memref<80x128xi32, #tpu.memory_space<vmem>> -> memref<1x128xi32, #tpu.memory_space<vmem>>
      %dma_start3A_41 = tpu.memref_squeeze %dma_start3A_40 : memref<1x128xi32, #tpu.memory_space<vmem>> -> memref<128xi32, #tpu.memory_space<vmem>>
      %dma_start3A_42 = arith.constant 0 : i32
      %dma_start3A_43 = arith.constant 0 : i32
      %dma_start3A_44 = tpu.memref_slice %arg17[%dma_start3A_42, %dma_start3A_43] : memref<10240x16xf32, #tpu.memory_space<vmem_shared>> -> memref<10240x16xf32, #tpu.memory_space<vmem_shared>>
      tpu.enqueue_indirect_dma source(%dma_start3A_44 : memref<10240x16xf32, #tpu.memory_space<vmem_shared>>) target(%arg12 : memref<128x16xf32, #tpu.memory_space<vmem>>) offsets(%dma_start3A_41 : memref<128xi32, #tpu.memory_space<vmem>>) semaphore(%arg22 : memref<!tpu.dma_semaphore, #tpu.memory_space<semaphore_mem>>)
      %add3A_45 = arith.constant 4 : i32
      %add3A_46 = arith.addi %mul3A_13, %add3A_45 : i32
      %dma_start3A_47 = arith.constant 0 : i32
      %dma_start3A_48 = tpu.memref_slice %arg7[%add3A_46, %dma_start3A_47] : memref<80x128xi32, #tpu.memory_space<vmem>> -> memref<1x128xi32, #tpu.memory_space<vmem>>
      %dma_start3A_49 = tpu.memref_squeeze %dma_start3A_48 : memref<1x128xi32, #tpu.memory_space<vmem>> -> memref<128xi32, #tpu.memory_space<vmem>>
      %dma_start3A_50 = arith.constant 0 : i32
      %dma_start3A_51 = arith.constant 0 : i32
      %dma_start3A_52 = tpu.memref_slice %arg17[%dma_start3A_50, %dma_start3A_51] : memref<10240x16xf32, #tpu.memory_space<vmem_shared>> -> memref<10240x16xf32, #tpu.memory_space<vmem_shared>>
      tpu.enqueue_indirect_dma source(%dma_start3A_52 : memref<10240x16xf32, #tpu.memory_space<vmem_shared>>) target(%arg13 : memref<128x16xf32, #tpu.memory_space<vmem>>) offsets(%dma_start3A_49 : memref<128xi32, #tpu.memory_space<vmem>>) semaphore(%arg23 : memref<!tpu.dma_semaphore, #tpu.memory_space<semaphore_mem>>)
      %add3A_53 = arith.constant 5 : i32
      %add3A_54 = arith.addi %mul3A_13, %add3A_53 : i32
      %dma_start3A_55 = arith.constant 0 : i32
      %dma_start3A_56 = tpu.memref_slice %arg7[%add3A_54, %dma_start3A_55] : memref<80x128xi32, #tpu.memory_space<vmem>> -> memref<1x128xi32, #tpu.memory_space<vmem>>
      %dma_start3A_57 = tpu.memref_squeeze %dma_start3A_56 : memref<1x128xi32, #tpu.memory_space<vmem>> -> memref<128xi32, #tpu.memory_space<vmem>>
      %dma_start3A_58 = arith.constant 0 : i32
      %dma_start3A_59 = arith.constant 0 : i32
      %dma_start3A_60 = tpu.memref_slice %arg17[%dma_start3A_58, %dma_start3A_59] : memref<10240x16xf32, #tpu.memory_space<vmem_shared>> -> memref<10240x16xf32, #tpu.memory_space<vmem_shared>>
      tpu.enqueue_indirect_dma source(%dma_start3A_60 : memref<10240x16xf32, #tpu.memory_space<vmem_shared>>) target(%arg14 : memref<128x16xf32, #tpu.memory_space<vmem>>) offsets(%dma_start3A_57 : memref<128xi32, #tpu.memory_space<vmem>>) semaphore(%arg24 : memref<!tpu.dma_semaphore, #tpu.memory_space<semaphore_mem>>)
      %add3A_61 = arith.constant 6 : i32
      %add3A_62 = arith.addi %mul3A_13, %add3A_61 : i32
      %dma_start3A_63 = arith.constant 0 : i32
      %dma_start3A_64 = tpu.memref_slice %arg7[%add3A_62, %dma_start3A_63] : memref<80x128xi32, #tpu.memory_space<vmem>> -> memref<1x128xi32, #tpu.memory_space<vmem>>
      %dma_start3A_65 = tpu.memref_squeeze %dma_start3A_64 : memref<1x128xi32, #tpu.memory_space<vmem>> -> memref<128xi32, #tpu.memory_space<vmem>>
      %dma_start3A_66 = arith.constant 0 : i32
      %dma_start3A_67 = arith.constant 0 : i32
      %dma_start3A_68 = tpu.memref_slice %arg17[%dma_start3A_66, %dma_start3A_67] : memref<10240x16xf32, #tpu.memory_space<vmem_shared>> -> memref<10240x16xf32, #tpu.memory_space<vmem_shared>>
      tpu.enqueue_indirect_dma source(%dma_start3A_68 : memref<10240x16xf32, #tpu.memory_space<vmem_shared>>) target(%arg15 : memref<128x16xf32, #tpu.memory_space<vmem>>) offsets(%dma_start3A_65 : memref<128xi32, #tpu.memory_space<vmem>>) semaphore(%arg25 : memref<!tpu.dma_semaphore, #tpu.memory_space<semaphore_mem>>)
      %add3A_69 = arith.constant 7 : i32
      %add3A_70 = arith.addi %mul3A_13, %add3A_69 : i32
      %dma_start3A_71 = arith.constant 0 : i32
      %dma_start3A_72 = tpu.memref_slice %arg7[%add3A_70, %dma_start3A_71] : memref<80x128xi32, #tpu.memory_space<vmem>> -> memref<1x128xi32, #tpu.memory_space<vmem>>
      %dma_start3A_73 = tpu.memref_squeeze %dma_start3A_72 : memref<1x128xi32, #tpu.memory_space<vmem>> -> memref<128xi32, #tpu.memory_space<vmem>>
      %dma_start3A_74 = arith.constant 0 : i32
      %dma_start3A_75 = arith.constant 0 : i32
      %dma_start3A_76 = tpu.memref_slice %arg17[%dma_start3A_74, %dma_start3A_75] : memref<10240x16xf32, #tpu.memory_space<vmem_shared>> -> memref<10240x16xf32, #tpu.memory_space<vmem_shared>>
      tpu.enqueue_indirect_dma source(%dma_start3A_76 : memref<10240x16xf32, #tpu.memory_space<vmem_shared>>) target(%arg16 : memref<128x16xf32, #tpu.memory_space<vmem>>) offsets(%dma_start3A_73 : memref<128xi32, #tpu.memory_space<vmem>>) semaphore(%arg26 : memref<!tpu.dma_semaphore, #tpu.memory_space<semaphore_mem>>)
      %mul3A_77 = arith.constant 80 : i32
      %mul3A_78 = arith.muli %add3A, %mul3A_77 : i32
      %add3A_79 = arith.addi %mul3A_78, %mul3A_13 : i32
      "tpu.region"() ({
        %run_scoped3A = tpu.sem_alloc : memref<!tpu.dma_semaphore, #tpu.memory_space<semaphore_mem>>
        %dma_start3A_239 = arith.constant 0 : i32
        %dma_start3A_240 = tpu.memref_slice %arg4[%add3A_79, %dma_start3A_239] : memref<2560x128xi32, #tpu.memory_space<hbm>> -> memref<8x128xi32, #tpu.memory_space<hbm>>
        %dma_start3A_241 = arith.constant 0 : i32
        %dma_start3A_242 = tpu.memref_slice %arg4[%add3A_79, %dma_start3A_241] : memref<2560x128xi32, #tpu.memory_space<hbm>> -> memref<8x128xi32, #tpu.memory_space<hbm>>
        tpu.enqueue_dma source(%dma_start3A_242 : memref<8x128xi32, #tpu.memory_space<hbm>>) target(%arg8 : memref<8x128xi32, #tpu.memory_space<vmem>>) target_semaphore(%run_scoped3A : memref<!tpu.dma_semaphore, #tpu.memory_space<semaphore_mem>>)
        %dma_wait3A_243 = arith.constant 0 : i32
        %dma_wait3A_244 = tpu.memref_slice %arg4[%add3A_79, %dma_wait3A_243] : memref<2560x128xi32, #tpu.memory_space<hbm>> -> memref<8x128xi32, #tpu.memory_space<hbm>>
        %dma_wait3A_245 = arith.constant 0 : i32
        %dma_wait3A_246 = tpu.memref_slice %arg4[%add3A_79, %dma_wait3A_245] : memref<2560x128xi32, #tpu.memory_space<hbm>> -> memref<8x128xi32, #tpu.memory_space<hbm>>
        tpu.wait_dma2 semaphore(%run_scoped3A : memref<!tpu.dma_semaphore, #tpu.memory_space<semaphore_mem>>) src(%dma_wait3A_246 : memref<8x128xi32, #tpu.memory_space<hbm>>) dst(%arg8 : memref<8x128xi32, #tpu.memory_space<vmem>>)
        tpu.yield
      }) : () -> ()
      %dma_wait3A = arith.constant 0 : i32
      %dma_wait3A_80 = tpu.memref_slice %arg7[%add3A_15, %dma_wait3A] : memref<80x128xi32, #tpu.memory_space<vmem>> -> memref<1x128xi32, #tpu.memory_space<vmem>>
      %dma_wait3A_81 = tpu.memref_squeeze %dma_wait3A_80 : memref<1x128xi32, #tpu.memory_space<vmem>> -> memref<128xi32, #tpu.memory_space<vmem>>
      %dma_wait3A_82 = arith.constant 0 : i32
      %dma_wait3A_83 = arith.constant 0 : i32
      %dma_wait3A_84 = tpu.memref_slice %arg17[%dma_wait3A_82, %dma_wait3A_83] : memref<10240x16xf32, #tpu.memory_space<vmem_shared>> -> memref<10240x16xf32, #tpu.memory_space<vmem_shared>>
      tpu.wait_indirect_dma semaphore(%arg19 : memref<!tpu.dma_semaphore, #tpu.memory_space<semaphore_mem>>) src(%dma_wait3A_84 : memref<10240x16xf32, #tpu.memory_space<vmem_shared>>) dst(%arg9 : memref<128x16xf32, #tpu.memory_space<vmem>>)
      %dma_start3A_85 = arith.constant 0 : i32
      %dma_start3A_86 = arith.constant 0 : i32
      %dma_start3A_87 = tpu.memref_slice %arg8[%dma_start3A_85, %dma_start3A_86] : memref<8x128xi32, #tpu.memory_space<vmem>> -> memref<1x128xi32, #tpu.memory_space<vmem>>
      %dma_start3A_88 = tpu.memref_squeeze %dma_start3A_87 : memref<1x128xi32, #tpu.memory_space<vmem>> -> memref<128xi32, #tpu.memory_space<vmem>>
      %dma_start3A_89 = arith.constant 0 : i32
      %dma_start3A_90 = arith.constant 0 : i32
      %dma_start3A_91 = tpu.memref_slice %arg18[%dma_start3A_89, %dma_start3A_90] : memref<10240x16xf32, #tpu.memory_space<vmem_shared>> -> memref<10240x16xf32, #tpu.memory_space<vmem_shared>>
      tpu.enqueue_indirect_dma source(%arg9 : memref<128x16xf32, #tpu.memory_space<vmem>>) target(%dma_start3A_91 : memref<10240x16xf32, #tpu.memory_space<vmem_shared>>) offsets(%dma_start3A_88 : memref<128xi32, #tpu.memory_space<vmem>>) semaphore(%arg27 : memref<!tpu.dma_semaphore, #tpu.memory_space<semaphore_mem>>) {add = true}
      %dma_wait3A_92 = arith.constant 0 : i32
      %dma_wait3A_93 = tpu.memref_slice %arg7[%add3A_22, %dma_wait3A_92] : memref<80x128xi32, #tpu.memory_space<vmem>> -> memref<1x128xi32, #tpu.memory_space<vmem>>
      %dma_wait3A_94 = tpu.memref_squeeze %dma_wait3A_93 : memref<1x128xi32, #tpu.memory_space<vmem>> -> memref<128xi32, #tpu.memory_space<vmem>>
      %dma_wait3A_95 = arith.constant 0 : i32
      %dma_wait3A_96 = arith.constant 0 : i32
      %dma_wait3A_97 = tpu.memref_slice %arg17[%dma_wait3A_95, %dma_wait3A_96] : memref<10240x16xf32, #tpu.memory_space<vmem_shared>> -> memref<10240x16xf32, #tpu.memory_space<vmem_shared>>
      tpu.wait_indirect_dma semaphore(%arg20 : memref<!tpu.dma_semaphore, #tpu.memory_space<semaphore_mem>>) src(%dma_wait3A_97 : memref<10240x16xf32, #tpu.memory_space<vmem_shared>>) dst(%arg10 : memref<128x16xf32, #tpu.memory_space<vmem>>)
      %dma_start3A_98 = arith.constant 1 : i32
      %dma_start3A_99 = arith.constant 0 : i32
      %dma_start3A_100 = tpu.memref_slice %arg8[%dma_start3A_98, %dma_start3A_99] : memref<8x128xi32, #tpu.memory_space<vmem>> -> memref<1x128xi32, #tpu.memory_space<vmem>>
      %dma_start3A_101 = tpu.memref_squeeze %dma_start3A_100 : memref<1x128xi32, #tpu.memory_space<vmem>> -> memref<128xi32, #tpu.memory_space<vmem>>
      %dma_start3A_102 = arith.constant 0 : i32
      %dma_start3A_103 = arith.constant 0 : i32
      %dma_start3A_104 = tpu.memref_slice %arg18[%dma_start3A_102, %dma_start3A_103] : memref<10240x16xf32, #tpu.memory_space<vmem_shared>> -> memref<10240x16xf32, #tpu.memory_space<vmem_shared>>
      tpu.enqueue_indirect_dma source(%arg10 : memref<128x16xf32, #tpu.memory_space<vmem>>) target(%dma_start3A_104 : memref<10240x16xf32, #tpu.memory_space<vmem_shared>>) offsets(%dma_start3A_101 : memref<128xi32, #tpu.memory_space<vmem>>) semaphore(%arg28 : memref<!tpu.dma_semaphore, #tpu.memory_space<semaphore_mem>>) {add = true}
      %dma_wait3A_105 = arith.constant 0 : i32
      %dma_wait3A_106 = tpu.memref_slice %arg7[%add3A_30, %dma_wait3A_105] : memref<80x128xi32, #tpu.memory_space<vmem>> -> memref<1x128xi32, #tpu.memory_space<vmem>>
      %dma_wait3A_107 = tpu.memref_squeeze %dma_wait3A_106 : memref<1x128xi32, #tpu.memory_space<vmem>> -> memref<128xi32, #tpu.memory_space<vmem>>
      %dma_wait3A_108 = arith.constant 0 : i32
      %dma_wait3A_109 = arith.constant 0 : i32
      %dma_wait3A_110 = tpu.memref_slice %arg17[%dma_wait3A_108, %dma_wait3A_109] : memref<10240x16xf32, #tpu.memory_space<vmem_shared>> -> memref<10240x16xf32, #tpu.memory_space<vmem_shared>>
      tpu.wait_indirect_dma semaphore(%arg21 : memref<!tpu.dma_semaphore, #tpu.memory_space<semaphore_mem>>) src(%dma_wait3A_110 : memref<10240x16xf32, #tpu.memory_space<vmem_shared>>) dst(%arg11 : memref<128x16xf32, #tpu.memory_space<vmem>>)
      %dma_start3A_111 = arith.constant 2 : i32
      %dma_start3A_112 = arith.constant 0 : i32
      %dma_start3A_113 = tpu.memref_slice %arg8[%dma_start3A_111, %dma_start3A_112] : memref<8x128xi32, #tpu.memory_space<vmem>> -> memref<1x128xi32, #tpu.memory_space<vmem>>
      %dma_start3A_114 = tpu.memref_squeeze %dma_start3A_113 : memref<1x128xi32, #tpu.memory_space<vmem>> -> memref<128xi32, #tpu.memory_space<vmem>>
      %dma_start3A_115 = arith.constant 0 : i32
      %dma_start3A_116 = arith.constant 0 : i32
      %dma_start3A_117 = tpu.memref_slice %arg18[%dma_start3A_115, %dma_start3A_116] : memref<10240x16xf32, #tpu.memory_space<vmem_shared>> -> memref<10240x16xf32, #tpu.memory_space<vmem_shared>>
      tpu.enqueue_indirect_dma source(%arg11 : memref<128x16xf32, #tpu.memory_space<vmem>>) target(%dma_start3A_117 : memref<10240x16xf32, #tpu.memory_space<vmem_shared>>) offsets(%dma_start3A_114 : memref<128xi32, #tpu.memory_space<vmem>>) semaphore(%arg29 : memref<!tpu.dma_semaphore, #tpu.memory_space<semaphore_mem>>) {add = true}
      %dma_wait3A_118 = arith.constant 0 : i32
      %dma_wait3A_119 = tpu.memref_slice %arg7[%add3A_38, %dma_wait3A_118] : memref<80x128xi32, #tpu.memory_space<vmem>> -> memref<1x128xi32, #tpu.memory_space<vmem>>
      %dma_wait3A_120 = tpu.memref_squeeze %dma_wait3A_119 : memref<1x128xi32, #tpu.memory_space<vmem>> -> memref<128xi32, #tpu.memory_space<vmem>>
      %dma_wait3A_121 = arith.constant 0 : i32
      %dma_wait3A_122 = arith.constant 0 : i32
      %dma_wait3A_123 = tpu.memref_slice %arg17[%dma_wait3A_121, %dma_wait3A_122] : memref<10240x16xf32, #tpu.memory_space<vmem_shared>> -> memref<10240x16xf32, #tpu.memory_space<vmem_shared>>
      tpu.wait_indirect_dma semaphore(%arg22 : memref<!tpu.dma_semaphore, #tpu.memory_space<semaphore_mem>>) src(%dma_wait3A_123 : memref<10240x16xf32, #tpu.memory_space<vmem_shared>>) dst(%arg12 : memref<128x16xf32, #tpu.memory_space<vmem>>)
      %dma_start3A_124 = arith.constant 3 : i32
      %dma_start3A_125 = arith.constant 0 : i32
      %dma_start3A_126 = tpu.memref_slice %arg8[%dma_start3A_124, %dma_start3A_125] : memref<8x128xi32, #tpu.memory_space<vmem>> -> memref<1x128xi32, #tpu.memory_space<vmem>>
      %dma_start3A_127 = tpu.memref_squeeze %dma_start3A_126 : memref<1x128xi32, #tpu.memory_space<vmem>> -> memref<128xi32, #tpu.memory_space<vmem>>
      %dma_start3A_128 = arith.constant 0 : i32
      %dma_start3A_129 = arith.constant 0 : i32
      %dma_start3A_130 = tpu.memref_slice %arg18[%dma_start3A_128, %dma_start3A_129] : memref<10240x16xf32, #tpu.memory_space<vmem_shared>> -> memref<10240x16xf32, #tpu.memory_space<vmem_shared>>
      tpu.enqueue_indirect_dma source(%arg12 : memref<128x16xf32, #tpu.memory_space<vmem>>) target(%dma_start3A_130 : memref<10240x16xf32, #tpu.memory_space<vmem_shared>>) offsets(%dma_start3A_127 : memref<128xi32, #tpu.memory_space<vmem>>) semaphore(%arg30 : memref<!tpu.dma_semaphore, #tpu.memory_space<semaphore_mem>>) {add = true}
      %dma_wait3A_131 = arith.constant 0 : i32
      %dma_wait3A_132 = tpu.memref_slice %arg7[%add3A_46, %dma_wait3A_131] : memref<80x128xi32, #tpu.memory_space<vmem>> -> memref<1x128xi32, #tpu.memory_space<vmem>>
      %dma_wait3A_133 = tpu.memref_squeeze %dma_wait3A_132 : memref<1x128xi32, #tpu.memory_space<vmem>> -> memref<128xi32, #tpu.memory_space<vmem>>
      %dma_wait3A_134 = arith.constant 0 : i32
      %dma_wait3A_135 = arith.constant 0 : i32
      %dma_wait3A_136 = tpu.memref_slice %arg17[%dma_wait3A_134, %dma_wait3A_135] : memref<10240x16xf32, #tpu.memory_space<vmem_shared>> -> memref<10240x16xf32, #tpu.memory_space<vmem_shared>>
      tpu.wait_indirect_dma semaphore(%arg23 : memref<!tpu.dma_semaphore, #tpu.memory_space<semaphore_mem>>) src(%dma_wait3A_136 : memref<10240x16xf32, #tpu.memory_space<vmem_shared>>) dst(%arg13 : memref<128x16xf32, #tpu.memory_space<vmem>>)
      %dma_start3A_137 = arith.constant 4 : i32
      %dma_start3A_138 = arith.constant 0 : i32
      %dma_start3A_139 = tpu.memref_slice %arg8[%dma_start3A_137, %dma_start3A_138] : memref<8x128xi32, #tpu.memory_space<vmem>> -> memref<1x128xi32, #tpu.memory_space<vmem>>
      %dma_start3A_140 = tpu.memref_squeeze %dma_start3A_139 : memref<1x128xi32, #tpu.memory_space<vmem>> -> memref<128xi32, #tpu.memory_space<vmem>>
      %dma_start3A_141 = arith.constant 0 : i32
      %dma_start3A_142 = arith.constant 0 : i32
      %dma_start3A_143 = tpu.memref_slice %arg18[%dma_start3A_141, %dma_start3A_142] : memref<10240x16xf32, #tpu.memory_space<vmem_shared>> -> memref<10240x16xf32, #tpu.memory_space<vmem_shared>>
      tpu.enqueue_indirect_dma source(%arg13 : memref<128x16xf32, #tpu.memory_space<vmem>>) target(%dma_start3A_143 : memref<10240x16xf32, #tpu.memory_space<vmem_shared>>) offsets(%dma_start3A_140 : memref<128xi32, #tpu.memory_space<vmem>>) semaphore(%arg31 : memref<!tpu.dma_semaphore, #tpu.memory_space<semaphore_mem>>) {add = true}
      %dma_wait3A_144 = arith.constant 0 : i32
      %dma_wait3A_145 = tpu.memref_slice %arg7[%add3A_54, %dma_wait3A_144] : memref<80x128xi32, #tpu.memory_space<vmem>> -> memref<1x128xi32, #tpu.memory_space<vmem>>
      %dma_wait3A_146 = tpu.memref_squeeze %dma_wait3A_145 : memref<1x128xi32, #tpu.memory_space<vmem>> -> memref<128xi32, #tpu.memory_space<vmem>>
      %dma_wait3A_147 = arith.constant 0 : i32
      %dma_wait3A_148 = arith.constant 0 : i32
      %dma_wait3A_149 = tpu.memref_slice %arg17[%dma_wait3A_147, %dma_wait3A_148] : memref<10240x16xf32, #tpu.memory_space<vmem_shared>> -> memref<10240x16xf32, #tpu.memory_space<vmem_shared>>
      tpu.wait_indirect_dma semaphore(%arg24 : memref<!tpu.dma_semaphore, #tpu.memory_space<semaphore_mem>>) src(%dma_wait3A_149 : memref<10240x16xf32, #tpu.memory_space<vmem_shared>>) dst(%arg14 : memref<128x16xf32, #tpu.memory_space<vmem>>)
      %dma_start3A_150 = arith.constant 5 : i32
      %dma_start3A_151 = arith.constant 0 : i32
      %dma_start3A_152 = tpu.memref_slice %arg8[%dma_start3A_150, %dma_start3A_151] : memref<8x128xi32, #tpu.memory_space<vmem>> -> memref<1x128xi32, #tpu.memory_space<vmem>>
      %dma_start3A_153 = tpu.memref_squeeze %dma_start3A_152 : memref<1x128xi32, #tpu.memory_space<vmem>> -> memref<128xi32, #tpu.memory_space<vmem>>
      %dma_start3A_154 = arith.constant 0 : i32
      %dma_start3A_155 = arith.constant 0 : i32
      %dma_start3A_156 = tpu.memref_slice %arg18[%dma_start3A_154, %dma_start3A_155] : memref<10240x16xf32, #tpu.memory_space<vmem_shared>> -> memref<10240x16xf32, #tpu.memory_space<vmem_shared>>
      tpu.enqueue_indirect_dma source(%arg14 : memref<128x16xf32, #tpu.memory_space<vmem>>) target(%dma_start3A_156 : memref<10240x16xf32, #tpu.memory_space<vmem_shared>>) offsets(%dma_start3A_153 : memref<128xi32, #tpu.memory_space<vmem>>) semaphore(%arg32 : memref<!tpu.dma_semaphore, #tpu.memory_space<semaphore_mem>>) {add = true}
      %dma_wait3A_157 = arith.constant 0 : i32
      %dma_wait3A_158 = tpu.memref_slice %arg7[%add3A_62, %dma_wait3A_157] : memref<80x128xi32, #tpu.memory_space<vmem>> -> memref<1x128xi32, #tpu.memory_space<vmem>>
      %dma_wait3A_159 = tpu.memref_squeeze %dma_wait3A_158 : memref<1x128xi32, #tpu.memory_space<vmem>> -> memref<128xi32, #tpu.memory_space<vmem>>
      %dma_wait3A_160 = arith.constant 0 : i32
      %dma_wait3A_161 = arith.constant 0 : i32
      %dma_wait3A_162 = tpu.memref_slice %arg17[%dma_wait3A_160, %dma_wait3A_161] : memref<10240x16xf32, #tpu.memory_space<vmem_shared>> -> memref<10240x16xf32, #tpu.memory_space<vmem_shared>>
      tpu.wait_indirect_dma semaphore(%arg25 : memref<!tpu.dma_semaphore, #tpu.memory_space<semaphore_mem>>) src(%dma_wait3A_162 : memref<10240x16xf32, #tpu.memory_space<vmem_shared>>) dst(%arg15 : memref<128x16xf32, #tpu.memory_space<vmem>>)
      %dma_start3A_163 = arith.constant 6 : i32
      %dma_start3A_164 = arith.constant 0 : i32
      %dma_start3A_165 = tpu.memref_slice %arg8[%dma_start3A_163, %dma_start3A_164] : memref<8x128xi32, #tpu.memory_space<vmem>> -> memref<1x128xi32, #tpu.memory_space<vmem>>
      %dma_start3A_166 = tpu.memref_squeeze %dma_start3A_165 : memref<1x128xi32, #tpu.memory_space<vmem>> -> memref<128xi32, #tpu.memory_space<vmem>>
      %dma_start3A_167 = arith.constant 0 : i32
      %dma_start3A_168 = arith.constant 0 : i32
      %dma_start3A_169 = tpu.memref_slice %arg18[%dma_start3A_167, %dma_start3A_168] : memref<10240x16xf32, #tpu.memory_space<vmem_shared>> -> memref<10240x16xf32, #tpu.memory_space<vmem_shared>>
      tpu.enqueue_indirect_dma source(%arg15 : memref<128x16xf32, #tpu.memory_space<vmem>>) target(%dma_start3A_169 : memref<10240x16xf32, #tpu.memory_space<vmem_shared>>) offsets(%dma_start3A_166 : memref<128xi32, #tpu.memory_space<vmem>>) semaphore(%arg33 : memref<!tpu.dma_semaphore, #tpu.memory_space<semaphore_mem>>) {add = true}
      %dma_wait3A_170 = arith.constant 0 : i32
      %dma_wait3A_171 = tpu.memref_slice %arg7[%add3A_70, %dma_wait3A_170] : memref<80x128xi32, #tpu.memory_space<vmem>> -> memref<1x128xi32, #tpu.memory_space<vmem>>
      %dma_wait3A_172 = tpu.memref_squeeze %dma_wait3A_171 : memref<1x128xi32, #tpu.memory_space<vmem>> -> memref<128xi32, #tpu.memory_space<vmem>>
      %dma_wait3A_173 = arith.constant 0 : i32
      %dma_wait3A_174 = arith.constant 0 : i32
      %dma_wait3A_175 = tpu.memref_slice %arg17[%dma_wait3A_173, %dma_wait3A_174] : memref<10240x16xf32, #tpu.memory_space<vmem_shared>> -> memref<10240x16xf32, #tpu.memory_space<vmem_shared>>
      tpu.wait_indirect_dma semaphore(%arg26 : memref<!tpu.dma_semaphore, #tpu.memory_space<semaphore_mem>>) src(%dma_wait3A_175 : memref<10240x16xf32, #tpu.memory_space<vmem_shared>>) dst(%arg16 : memref<128x16xf32, #tpu.memory_space<vmem>>)
      %dma_start3A_176 = arith.constant 7 : i32
      %dma_start3A_177 = arith.constant 0 : i32
      %dma_start3A_178 = tpu.memref_slice %arg8[%dma_start3A_176, %dma_start3A_177] : memref<8x128xi32, #tpu.memory_space<vmem>> -> memref<1x128xi32, #tpu.memory_space<vmem>>
      %dma_start3A_179 = tpu.memref_squeeze %dma_start3A_178 : memref<1x128xi32, #tpu.memory_space<vmem>> -> memref<128xi32, #tpu.memory_space<vmem>>
      %dma_start3A_180 = arith.constant 0 : i32
      %dma_start3A_181 = arith.constant 0 : i32
      %dma_start3A_182 = tpu.memref_slice %arg18[%dma_start3A_180, %dma_start3A_181] : memref<10240x16xf32, #tpu.memory_space<vmem_shared>> -> memref<10240x16xf32, #tpu.memory_space<vmem_shared>>
      tpu.enqueue_indirect_dma source(%arg16 : memref<128x16xf32, #tpu.memory_space<vmem>>) target(%dma_start3A_182 : memref<10240x16xf32, #tpu.memory_space<vmem_shared>>) offsets(%dma_start3A_179 : memref<128xi32, #tpu.memory_space<vmem>>) semaphore(%arg34 : memref<!tpu.dma_semaphore, #tpu.memory_space<semaphore_mem>>) {add = true}
      %dma_wait3A_183 = arith.constant 0 : i32
      %dma_wait3A_184 = arith.constant 0 : i32
      %dma_wait3A_185 = tpu.memref_slice %arg8[%dma_wait3A_183, %dma_wait3A_184] : memref<8x128xi32, #tpu.memory_space<vmem>> -> memref<1x128xi32, #tpu.memory_space<vmem>>
      %dma_wait3A_186 = tpu.memref_squeeze %dma_wait3A_185 : memref<1x128xi32, #tpu.memory_space<vmem>> -> memref<128xi32, #tpu.memory_space<vmem>>
      %dma_wait3A_187 = arith.constant 0 : i32
      %dma_wait3A_188 = arith.constant 0 : i32
      %dma_wait3A_189 = tpu.memref_slice %arg18[%dma_wait3A_187, %dma_wait3A_188] : memref<10240x16xf32, #tpu.memory_space<vmem_shared>> -> memref<10240x16xf32, #tpu.memory_space<vmem_shared>>
      tpu.wait_indirect_dma semaphore(%arg27 : memref<!tpu.dma_semaphore, #tpu.memory_space<semaphore_mem>>) src(%arg9 : memref<128x16xf32, #tpu.memory_space<vmem>>) dst(%dma_wait3A_189 : memref<10240x16xf32, #tpu.memory_space<vmem_shared>>)
      %dma_wait3A_190 = arith.constant 1 : i32
      %dma_wait3A_191 = arith.constant 0 : i32
      %dma_wait3A_192 = tpu.memref_slice %arg8[%dma_wait3A_190, %dma_wait3A_191] : memref<8x128xi32, #tpu.memory_space<vmem>> -> memref<1x128xi32, #tpu.memory_space<vmem>>
      %dma_wait3A_193 = tpu.memref_squeeze %dma_wait3A_192 : memref<1x128xi32, #tpu.memory_space<vmem>> -> memref<128xi32, #tpu.memory_space<vmem>>
      %dma_wait3A_194 = arith.constant 0 : i32
      %dma_wait3A_195 = arith.constant 0 : i32
      %dma_wait3A_196 = tpu.memref_slice %arg18[%dma_wait3A_194, %dma_wait3A_195] : memref<10240x16xf32, #tpu.memory_space<vmem_shared>> -> memref<10240x16xf32, #tpu.memory_space<vmem_shared>>
      tpu.wait_indirect_dma semaphore(%arg28 : memref<!tpu.dma_semaphore, #tpu.memory_space<semaphore_mem>>) src(%arg10 : memref<128x16xf32, #tpu.memory_space<vmem>>) dst(%dma_wait3A_196 : memref<10240x16xf32, #tpu.memory_space<vmem_shared>>)
      %dma_wait3A_197 = arith.constant 2 : i32
      %dma_wait3A_198 = arith.constant 0 : i32
      %dma_wait3A_199 = tpu.memref_slice %arg8[%dma_wait3A_197, %dma_wait3A_198] : memref<8x128xi32, #tpu.memory_space<vmem>> -> memref<1x128xi32, #tpu.memory_space<vmem>>
      %dma_wait3A_200 = tpu.memref_squeeze %dma_wait3A_199 : memref<1x128xi32, #tpu.memory_space<vmem>> -> memref<128xi32, #tpu.memory_space<vmem>>
      %dma_wait3A_201 = arith.constant 0 : i32
      %dma_wait3A_202 = arith.constant 0 : i32
      %dma_wait3A_203 = tpu.memref_slice %arg18[%dma_wait3A_201, %dma_wait3A_202] : memref<10240x16xf32, #tpu.memory_space<vmem_shared>> -> memref<10240x16xf32, #tpu.memory_space<vmem_shared>>
      tpu.wait_indirect_dma semaphore(%arg29 : memref<!tpu.dma_semaphore, #tpu.memory_space<semaphore_mem>>) src(%arg11 : memref<128x16xf32, #tpu.memory_space<vmem>>) dst(%dma_wait3A_203 : memref<10240x16xf32, #tpu.memory_space<vmem_shared>>)
      %dma_wait3A_204 = arith.constant 3 : i32
      %dma_wait3A_205 = arith.constant 0 : i32
      %dma_wait3A_206 = tpu.memref_slice %arg8[%dma_wait3A_204, %dma_wait3A_205] : memref<8x128xi32, #tpu.memory_space<vmem>> -> memref<1x128xi32, #tpu.memory_space<vmem>>
      %dma_wait3A_207 = tpu.memref_squeeze %dma_wait3A_206 : memref<1x128xi32, #tpu.memory_space<vmem>> -> memref<128xi32, #tpu.memory_space<vmem>>
      %dma_wait3A_208 = arith.constant 0 : i32
      %dma_wait3A_209 = arith.constant 0 : i32
      %dma_wait3A_210 = tpu.memref_slice %arg18[%dma_wait3A_208, %dma_wait3A_209] : memref<10240x16xf32, #tpu.memory_space<vmem_shared>> -> memref<10240x16xf32, #tpu.memory_space<vmem_shared>>
      tpu.wait_indirect_dma semaphore(%arg30 : memref<!tpu.dma_semaphore, #tpu.memory_space<semaphore_mem>>) src(%arg12 : memref<128x16xf32, #tpu.memory_space<vmem>>) dst(%dma_wait3A_210 : memref<10240x16xf32, #tpu.memory_space<vmem_shared>>)
      %dma_wait3A_211 = arith.constant 4 : i32
      %dma_wait3A_212 = arith.constant 0 : i32
      %dma_wait3A_213 = tpu.memref_slice %arg8[%dma_wait3A_211, %dma_wait3A_212] : memref<8x128xi32, #tpu.memory_space<vmem>> -> memref<1x128xi32, #tpu.memory_space<vmem>>
      %dma_wait3A_214 = tpu.memref_squeeze %dma_wait3A_213 : memref<1x128xi32, #tpu.memory_space<vmem>> -> memref<128xi32, #tpu.memory_space<vmem>>
      %dma_wait3A_215 = arith.constant 0 : i32
      %dma_wait3A_216 = arith.constant 0 : i32
      %dma_wait3A_217 = tpu.memref_slice %arg18[%dma_wait3A_215, %dma_wait3A_216] : memref<10240x16xf32, #tpu.memory_space<vmem_shared>> -> memref<10240x16xf32, #tpu.memory_space<vmem_shared>>
      tpu.wait_indirect_dma semaphore(%arg31 : memref<!tpu.dma_semaphore, #tpu.memory_space<semaphore_mem>>) src(%arg13 : memref<128x16xf32, #tpu.memory_space<vmem>>) dst(%dma_wait3A_217 : memref<10240x16xf32, #tpu.memory_space<vmem_shared>>)
      %dma_wait3A_218 = arith.constant 5 : i32
      %dma_wait3A_219 = arith.constant 0 : i32
      %dma_wait3A_220 = tpu.memref_slice %arg8[%dma_wait3A_218, %dma_wait3A_219] : memref<8x128xi32, #tpu.memory_space<vmem>> -> memref<1x128xi32, #tpu.memory_space<vmem>>
      %dma_wait3A_221 = tpu.memref_squeeze %dma_wait3A_220 : memref<1x128xi32, #tpu.memory_space<vmem>> -> memref<128xi32, #tpu.memory_space<vmem>>
      %dma_wait3A_222 = arith.constant 0 : i32
      %dma_wait3A_223 = arith.constant 0 : i32
      %dma_wait3A_224 = tpu.memref_slice %arg18[%dma_wait3A_222, %dma_wait3A_223] : memref<10240x16xf32, #tpu.memory_space<vmem_shared>> -> memref<10240x16xf32, #tpu.memory_space<vmem_shared>>
      tpu.wait_indirect_dma semaphore(%arg32 : memref<!tpu.dma_semaphore, #tpu.memory_space<semaphore_mem>>) src(%arg14 : memref<128x16xf32, #tpu.memory_space<vmem>>) dst(%dma_wait3A_224 : memref<10240x16xf32, #tpu.memory_space<vmem_shared>>)
      %dma_wait3A_225 = arith.constant 6 : i32
      %dma_wait3A_226 = arith.constant 0 : i32
      %dma_wait3A_227 = tpu.memref_slice %arg8[%dma_wait3A_225, %dma_wait3A_226] : memref<8x128xi32, #tpu.memory_space<vmem>> -> memref<1x128xi32, #tpu.memory_space<vmem>>
      %dma_wait3A_228 = tpu.memref_squeeze %dma_wait3A_227 : memref<1x128xi32, #tpu.memory_space<vmem>> -> memref<128xi32, #tpu.memory_space<vmem>>
      %dma_wait3A_229 = arith.constant 0 : i32
      %dma_wait3A_230 = arith.constant 0 : i32
      %dma_wait3A_231 = tpu.memref_slice %arg18[%dma_wait3A_229, %dma_wait3A_230] : memref<10240x16xf32, #tpu.memory_space<vmem_shared>> -> memref<10240x16xf32, #tpu.memory_space<vmem_shared>>
      tpu.wait_indirect_dma semaphore(%arg33 : memref<!tpu.dma_semaphore, #tpu.memory_space<semaphore_mem>>) src(%arg15 : memref<128x16xf32, #tpu.memory_space<vmem>>) dst(%dma_wait3A_231 : memref<10240x16xf32, #tpu.memory_space<vmem_shared>>)
      %dma_wait3A_232 = arith.constant 7 : i32
      %dma_wait3A_233 = arith.constant 0 : i32
      %dma_wait3A_234 = tpu.memref_slice %arg8[%dma_wait3A_232, %dma_wait3A_233] : memref<8x128xi32, #tpu.memory_space<vmem>> -> memref<1x128xi32, #tpu.memory_space<vmem>>
      %dma_wait3A_235 = tpu.memref_squeeze %dma_wait3A_234 : memref<1x128xi32, #tpu.memory_space<vmem>> -> memref<128xi32, #tpu.memory_space<vmem>>
      %dma_wait3A_236 = arith.constant 0 : i32
      %dma_wait3A_237 = arith.constant 0 : i32
      %dma_wait3A_238 = tpu.memref_slice %arg18[%dma_wait3A_236, %dma_wait3A_237] : memref<10240x16xf32, #tpu.memory_space<vmem_shared>> -> memref<10240x16xf32, #tpu.memory_space<vmem_shared>>
      tpu.wait_indirect_dma semaphore(%arg34 : memref<!tpu.dma_semaphore, #tpu.memory_space<semaphore_mem>>) src(%arg16 : memref<128x16xf32, #tpu.memory_space<vmem>>) dst(%dma_wait3A_238 : memref<10240x16xf32, #tpu.memory_space<vmem_shared>>)
    }
    %scan3A_9 = arith.constant 10 : i32
    %barrier3A_10 = arith.constant 0 : index
    tpu.barrier barrier_id(%barrier3A_10)
    "tpu.region"() ({
      %run_scoped3A = tpu.sem_alloc : memref<!tpu.dma_semaphore, #tpu.memory_space<semaphore_mem>>
      %dma_start3A = arith.constant 0 : i32
      %dma_start3A_11 = tpu.memref_slice %arg6[%arg0, %mul3A_2, %dma_start3A] : memref<2x10240x16xf32, #tpu.memory_space<hbm>> -> memref<1x640x16xf32, #tpu.memory_space<hbm>>
      %dma_start3A_12 = tpu.memref_squeeze %dma_start3A_11 : memref<1x640x16xf32, #tpu.memory_space<hbm>> -> memref<640x16xf32, #tpu.memory_space<hbm>>
      %dma_start3A_13 = arith.constant 0 : i32
      %dma_start3A_14 = tpu.memref_slice %arg18[%mul3A_2, %dma_start3A_13] : memref<10240x16xf32, #tpu.memory_space<vmem_shared>> -> memref<640x16xf32, #tpu.memory_space<vmem_shared>>
      tpu.enqueue_dma source(%dma_start3A_14 : memref<640x16xf32, #tpu.memory_space<vmem_shared>>) target(%dma_start3A_12 : memref<640x16xf32, #tpu.memory_space<hbm>>) target_semaphore(%run_scoped3A : memref<!tpu.dma_semaphore, #tpu.memory_space<semaphore_mem>>)
      %dma_wait3A = arith.constant 0 : i32
      %dma_wait3A_15 = tpu.memref_slice %arg6[%arg0, %mul3A_2, %dma_wait3A] : memref<2x10240x16xf32, #tpu.memory_space<hbm>> -> memref<1x640x16xf32, #tpu.memory_space<hbm>>
      %dma_wait3A_16 = tpu.memref_squeeze %dma_wait3A_15 : memref<1x640x16xf32, #tpu.memory_space<hbm>> -> memref<640x16xf32, #tpu.memory_space<hbm>>
      %dma_wait3A_17 = arith.constant 0 : i32
      %dma_wait3A_18 = tpu.memref_slice %arg18[%mul3A_2, %dma_wait3A_17] : memref<10240x16xf32, #tpu.memory_space<vmem_shared>> -> memref<640x16xf32, #tpu.memory_space<vmem_shared>>
      tpu.wait_dma2 semaphore(%run_scoped3A : memref<!tpu.dma_semaphore, #tpu.memory_space<semaphore_mem>>) src(%dma_wait3A_18 : memref<640x16xf32, #tpu.memory_space<vmem_shared>>) dst(%dma_wait3A_16 : memref<640x16xf32, #tpu.memory_space<hbm>>)
      tpu.yield
    }) : () -> ()
    return
  }
}

module attributes {stable_mosaic.version = 14 : i64} {
  func.func @body(%arg0: i32, %arg1: memref<1024x128xf32, #tpu.memory_space<vmem>>, %arg2: memref<128x128xf32, #tpu.memory_space<vmem>>, %arg3: memref<1024x128xf32, #tpu.memory_space<vmem>>) attributes {dimension_semantics = [#tpu.dimension_semantics<arbitrary>], iteration_bounds = array<i64: 10>, scalar_prefetch = 0 : i64, scratch_operands = 0 : i64, tpu.core_type = #tpu.core_type<tc>, window_params = [{transform_indices = @transform_0, window_bounds = array<i64: 1024, 128>}, {pipeline_mode = #tpu.pipeline_mode<synchronous>, transform_indices = @transform_1, window_bounds = array<i64: 128, 128>}, {transform_indices = @transform_2, window_bounds = array<i64: 1024, 128>}]} {
    %get3A = arith.constant 0 : index
    %get3A_0 = arith.constant 0 : index
    %get3A_1 = vector.load %arg1[%get3A, %get3A_0] : memref<1024x128xf32, #tpu.memory_space<vmem>>, vector<1024x128xf32>
    %get3A_2 = arith.constant 0 : index
    %get3A_3 = arith.constant 0 : index
    %get3A_4 = vector.load %arg2[%get3A_2, %get3A_3] : memref<128x128xf32, #tpu.memory_space<vmem>>, vector<128x128xf32>
    %dot_general3A = arith.constant dense<0.000000e+00> : vector<1024x128xf32>
    %dot_general3A_5 = tpu.matmul %get3A_1, %get3A_4, %dot_general3A {dimension_numbers = #tpu.dot_dimension_numbers<[1], [0], [0], [1], [0, 0, 1, 1], [], []>, transpose_lhs_hint = false} : vector<1024x128xf32>, vector<128x128xf32>, vector<1024x128xf32> -> vector<1024x128xf32>
    %swap3A = arith.constant 0 : index
    %swap3A_6 = arith.constant 0 : index
    %swap3A_7 = vector.load %arg3[%swap3A, %swap3A_6] : memref<1024x128xf32, #tpu.memory_space<vmem>>, vector<1024x128xf32>
    tpu.vector_store %arg3[%swap3A, %swap3A_6], %dot_general3A_5 {strides = array<i32>} : memref<1024x128xf32, #tpu.memory_space<vmem>>, vector<1024x128xf32>,
    return
  }
  func.func @transform_0(%arg0: i32) -> (i32, i32) {
    %c0_i32 = arith.constant 0 : i32
    %c0_i32_0 = arith.constant 0 : i32
    return %arg0, %c0_i32 : i32, i32
  }
  func.func @transform_1(%arg0: i32) -> (i32, i32) {
    %c0_i32 = arith.constant 0 : i32
    %c0_i32_0 = arith.constant 0 : i32
    %c0_i32_1 = arith.constant 0 : i32
    return %c0_i32, %c0_i32_0 : i32, i32
  }
  func.func @transform_2(%arg0: i32) -> (i32, i32) {
    %c0_i32 = arith.constant 0 : i32
    %c0_i32_0 = arith.constant 0 : i32
    return %arg0, %c0_i32 : i32, i32
  }
}

module attributes {stable_mosaic.version = 14 : i64} {
  func.func @body(%arg0: i32, %arg1: memref<1024x128xf32, #tpu.memory_space<vmem>>, %arg2: memref<2x1024x16xf32, #tpu.memory_space<vmem>>, %arg3: memref<1024x128xf32, #tpu.memory_space<vmem>>) attributes {dimension_semantics = [#tpu.dimension_semantics<arbitrary>], iteration_bounds = array<i64: 10>, scalar_prefetch = 0 : i64, scratch_operands = 0 : i64, tpu.core_type = #tpu.core_type<tc>, window_params = [{transform_indices = @transform_0, window_bounds = array<i64: 1024, 128>}, {transform_indices = @transform_1, window_bounds = array<i64: 2, 1024, 16>}, {transform_indices = @transform_2, window_bounds = array<i64: 1024, 128>}]} {
    %get3A = arith.constant 0 : index
    %get3A_0 = arith.constant 0 : index
    %get3A_1 = vector.load %arg1[%get3A, %get3A_0] : memref<1024x128xf32, #tpu.memory_space<vmem>>, vector<1024x128xf32>
    %get3A_2 = arith.constant 0 : index
    %get3A_3 = arith.constant 0 : index
    %get3A_4 = arith.constant 0 : index
    %get3A_5 = vector.load %arg2[%get3A_2, %get3A_3, %get3A_4] : memref<2x1024x16xf32, #tpu.memory_space<vmem>>, vector<1x1024x16xf32>
    %get3A_6 = vector.shape_cast %get3A_5 : vector<1x1024x16xf32> to vector<1024x16xf32>
    %slice3A = vector.extract_strided_slice %get3A_6 {offsets = [0, 0], sizes = [1024, 1], strides = [1, 1]} : vector<1024x16xf32> to vector<1024x1xf32>
    %get3A_7 = arith.constant 1 : index
    %get3A_8 = arith.constant 0 : index
    %get3A_9 = arith.constant 0 : index
    %get3A_10 = vector.load %arg2[%get3A_7, %get3A_8, %get3A_9] : memref<2x1024x16xf32, #tpu.memory_space<vmem>>, vector<1x1024x16xf32>
    %get3A_11 = vector.shape_cast %get3A_10 : vector<1x1024x16xf32> to vector<1024x16xf32>
    %slice3A_12 = vector.extract_strided_slice %get3A_11 {offsets = [0, 0], sizes = [1024, 1], strides = [1, 1]} : vector<1024x16xf32> to vector<1024x1xf32>
    %add3A = arith.addf %slice3A, %slice3A_12 : vector<1024x1xf32>
    %add3A_13 = arith.constant 1.000000e+00 : f32
    %add3A_14 = vector.broadcast %add3A_13 : f32 to vector<1024x1xf32>
    %add3A_15 = arith.addf %add3A, %add3A_14 : vector<1024x1xf32>
    %rsqrt3A = math.rsqrt %add3A_15 : vector<1024x1xf32>
    %mul3A = vector.broadcast %rsqrt3A : vector<1024x1xf32> to vector<1024x128xf32>
    %mul3A_16 = arith.mulf %get3A_1, %mul3A : vector<1024x128xf32>
    %swap3A = arith.constant 0 : index
    %swap3A_17 = arith.constant 0 : index
    %swap3A_18 = vector.load %arg3[%swap3A, %swap3A_17] : memref<1024x128xf32, #tpu.memory_space<vmem>>, vector<1024x128xf32>
    tpu.vector_store %arg3[%swap3A, %swap3A_17], %mul3A_16 {strides = array<i32>} : memref<1024x128xf32, #tpu.memory_space<vmem>>, vector<1024x128xf32>,
    return
  }
  func.func @transform_0(%arg0: i32) -> (i32, i32) {
    %c0_i32 = arith.constant 0 : i32
    %c0_i32_0 = arith.constant 0 : i32
    return %arg0, %c0_i32 : i32, i32
  }
  func.func @transform_1(%arg0: i32) -> (i32, i32, i32) {
    %c0_i32 = arith.constant 0 : i32
    %c0_i32_0 = arith.constant 0 : i32
    %c0_i32_1 = arith.constant 0 : i32
    return %c0_i32, %arg0, %c0_i32_0 : i32, i32, i32
  }
  func.func @transform_2(%arg0: i32) -> (i32, i32) {
    %c0_i32 = arith.constant 0 : i32
    %c0_i32_0 = arith.constant 0 : i32
    return %arg0, %c0_i32 : i32, i32
  }
}

module attributes {stable_mosaic.version = 14 : i64} {
  func.func @body(%arg0: i32, %arg1: memref<2x1024x64xf32, #tpu.memory_space<vmem>>, %arg2: memref<1024x128xf32, #tpu.memory_space<vmem>>, %arg3: memref<2x1024x16xf32, #tpu.memory_space<vmem>>, %arg4: memref<1x128xf32, #tpu.memory_space<vmem>>, %arg5: memref<128x16xf32, #tpu.memory_space<vmem>>, %arg6: memref<1024x16xf32, #tpu.memory_space<vmem>>) attributes {dimension_semantics = [#tpu.dimension_semantics<arbitrary>], iteration_bounds = array<i64: 10>, scalar_prefetch = 0 : i64, scratch_operands = 0 : i64, tpu.core_type = #tpu.core_type<tc>, window_params = [{transform_indices = @transform_0, window_bounds = array<i64: 2, 1024, 64>}, {transform_indices = @transform_1, window_bounds = array<i64: 1024, 128>}, {transform_indices = @transform_2, window_bounds = array<i64: 2, 1024, 16>}, {pipeline_mode = #tpu.pipeline_mode<synchronous>, transform_indices = @transform_3, window_bounds = array<i64: 1, 128>}, {pipeline_mode = #tpu.pipeline_mode<synchronous>, transform_indices = @transform_4, window_bounds = array<i64: 128, 16>}, {transform_indices = @transform_5, window_bounds = array<i64: 1024, 16>}]} {
    %get3A = arith.constant 0 : index
    %get3A_0 = arith.constant 0 : index
    %get3A_1 = arith.constant 0 : index
    %get3A_2 = vector.load %arg3[%get3A, %get3A_0, %get3A_1] : memref<2x1024x16xf32, #tpu.memory_space<vmem>>, vector<1x1024x16xf32>
    %get3A_3 = vector.shape_cast %get3A_2 : vector<1x1024x16xf32> to vector<1024x16xf32>
    %slice3A = vector.extract_strided_slice %get3A_3 {offsets = [0, 0], sizes = [1024, 1], strides = [1, 1]} : vector<1024x16xf32> to vector<1024x1xf32>
    %get3A_4 = arith.constant 1 : index
    %get3A_5 = arith.constant 0 : index
    %get3A_6 = arith.constant 0 : index
    %get3A_7 = vector.load %arg3[%get3A_4, %get3A_5, %get3A_6] : memref<2x1024x16xf32, #tpu.memory_space<vmem>>, vector<1x1024x16xf32>
    %get3A_8 = vector.shape_cast %get3A_7 : vector<1x1024x16xf32> to vector<1024x16xf32>
    %slice3A_9 = vector.extract_strided_slice %get3A_8 {offsets = [0, 0], sizes = [1024, 1], strides = [1, 1]} : vector<1024x16xf32> to vector<1024x1xf32>
    %add3A = arith.addf %slice3A, %slice3A_9 : vector<1024x1xf32>
    %add3A_10 = arith.constant 1.000000e+00 : f32
    %add3A_11 = vector.broadcast %add3A_10 : f32 to vector<1024x1xf32>
    %add3A_12 = arith.addf %add3A, %add3A_11 : vector<1024x1xf32>
    %rsqrt3A = math.rsqrt %add3A_12 : vector<1024x1xf32>
    %get3A_13 = arith.constant 0 : index
    %get3A_14 = arith.constant 0 : index
    %get3A_15 = arith.constant 0 : index
    %get3A_16 = vector.load %arg1[%get3A_13, %get3A_14, %get3A_15] : memref<2x1024x64xf32, #tpu.memory_space<vmem>>, vector<1x1024x64xf32>
    %get3A_17 = vector.shape_cast %get3A_16 : vector<1x1024x64xf32> to vector<1024x64xf32>
    %get3A_18 = arith.constant 1 : index
    %get3A_19 = arith.constant 0 : index
    %get3A_20 = arith.constant 0 : index
    %get3A_21 = vector.load %arg1[%get3A_18, %get3A_19, %get3A_20] : memref<2x1024x64xf32, #tpu.memory_space<vmem>>, vector<1x1024x64xf32>
    %get3A_22 = vector.shape_cast %get3A_21 : vector<1x1024x64xf32> to vector<1024x64xf32>
    %concatenate3A = tpu.concatenate %get3A_17, %get3A_22 in 1 : vector<1024x64xf32>, vector<1024x64xf32> -> vector<1024x128xf32>
    %get3A_23 = arith.constant 0 : index
    %get3A_24 = arith.constant 0 : index
    %get3A_25 = vector.load %arg2[%get3A_23, %get3A_24] : memref<1024x128xf32, #tpu.memory_space<vmem>>, vector<1024x128xf32>
    %add3A_26 = arith.addf %concatenate3A, %get3A_25 : vector<1024x128xf32>
    %mul3A = vector.broadcast %rsqrt3A : vector<1024x1xf32> to vector<1024x128xf32>
    %mul3A_27 = arith.mulf %mul3A, %add3A_26 : vector<1024x128xf32>
    %get3A_28 = arith.constant 0 : index
    %get3A_29 = arith.constant 0 : index
    %get3A_30 = vector.load %arg4[%get3A_28, %get3A_29] : memref<1x128xf32, #tpu.memory_space<vmem>>, vector<1x128xf32>
    %add3A_31 = vector.broadcast %get3A_30 : vector<1x128xf32> to vector<1024x128xf32>
    %add3A_32 = arith.addf %mul3A_27, %add3A_31 : vector<1024x128xf32>
    %ge3A = arith.constant 0.000000e+00 : f32
    %ge3A_33 = vector.broadcast %ge3A : f32 to vector<1024x128xf32>
    %ge3A_34 = arith.cmpf oge, %add3A_32, %ge3A_33 : vector<1024x128xf32>
    %mul3A_35 = arith.constant 0.00999999977 : f32
    %mul3A_36 = vector.broadcast %mul3A_35 : f32 to vector<1024x128xf32>
    %mul3A_37 = arith.mulf %mul3A_36, %add3A_32 : vector<1024x128xf32>
    %select_n3A = arith.select %ge3A_34, %add3A_32, %mul3A_37 : vector<1024x128xi1>, vector<1024x128xf32>
    %get3A_38 = arith.constant 0 : index
    %get3A_39 = arith.constant 0 : index
    %get3A_40 = vector.load %arg5[%get3A_38, %get3A_39] : memref<128x16xf32, #tpu.memory_space<vmem>>, vector<128x16xf32>
    %dot_general3A = arith.constant dense<0.000000e+00> : vector<1024x16xf32>
    %dot_general3A_41 = tpu.matmul %select_n3A, %get3A_40, %dot_general3A {dimension_numbers = #tpu.dot_dimension_numbers<[1], [0], [0], [1], [0, 0, 1, 1], [], []>, transpose_lhs_hint = false} : vector<1024x128xf32>, vector<128x16xf32>, vector<1024x16xf32> -> vector<1024x16xf32>
    %mul3A_42 = vector.broadcast %rsqrt3A : vector<1024x1xf32> to vector<1024x16xf32>
    %mul3A_43 = arith.mulf %dot_general3A_41, %mul3A_42 : vector<1024x16xf32>
    %swap3A = arith.constant 0 : index
    %swap3A_44 = arith.constant 0 : index
    %swap3A_45 = vector.load %arg6[%swap3A, %swap3A_44] : memref<1024x16xf32, #tpu.memory_space<vmem>>, vector<1024x16xf32>
    tpu.vector_store %arg6[%swap3A, %swap3A_44], %mul3A_43 {strides = array<i32>} : memref<1024x16xf32, #tpu.memory_space<vmem>>, vector<1024x16xf32>,
    return
  }
  func.func @transform_0(%arg0: i32) -> (i32, i32, i32) {
    %c0_i32 = arith.constant 0 : i32
    %c0_i32_0 = arith.constant 0 : i32
    %c0_i32_1 = arith.constant 0 : i32
    return %c0_i32, %arg0, %c0_i32_0 : i32, i32, i32
  }
  func.func @transform_1(%arg0: i32) -> (i32, i32) {
    %c0_i32 = arith.constant 0 : i32
    %c0_i32_0 = arith.constant 0 : i32
    return %arg0, %c0_i32 : i32, i32
  }
  func.func @transform_2(%arg0: i32) -> (i32, i32, i32) {
    %c0_i32 = arith.constant 0 : i32
    %c0_i32_0 = arith.constant 0 : i32
    %c0_i32_1 = arith.constant 0 : i32
    return %c0_i32, %arg0, %c0_i32_0 : i32, i32, i32
  }
  func.func @transform_3(%arg0: i32) -> (i32, i32) {
    %c0_i32 = arith.constant 0 : i32
    %c0_i32_0 = arith.constant 0 : i32
    %c0_i32_1 = arith.constant 0 : i32
    return %c0_i32, %c0_i32_0 : i32, i32
  }
  func.func @transform_4(%arg0: i32) -> (i32, i32) {
    %c0_i32 = arith.constant 0 : i32
    %c0_i32_0 = arith.constant 0 : i32
    %c0_i32_1 = arith.constant 0 : i32
    return %c0_i32, %c0_i32_0 : i32, i32
  }
  func.func @transform_5(%arg0: i32) -> (i32, i32) {
    %c0_i32 = arith.constant 0 : i32
    %c0_i32_0 = arith.constant 0 : i32
    return %arg0, %c0_i32 : i32, i32
  }
}

module attributes {stable_mosaic.version = 14 : i64} {
  func.func @body(%arg0: memref<2x10240x16xf32, #tpu.memory_space<vmem>>, %arg1: memref<10240x16xf32, #tpu.memory_space<vmem>>, %arg2: memref<2x10240x16xf32, #tpu.memory_space<vmem>>, %arg3: memref<1x10240xi32, #tpu.memory_space<vmem>>, %arg4: memref<1x16xf32, #tpu.memory_space<vmem>>, %arg5: memref<32x16xf32, #tpu.memory_space<vmem>>) attributes {dimension_semantics = [], scalar_prefetch = 0 : i64, scratch_operands = 0 : i64, tpu.core_type = #tpu.core_type<tc>} {
    %get3A = arith.constant 0 : index
    %get3A_0 = arith.constant 0 : index
    %get3A_1 = arith.constant 0 : index
    %get3A_2 = vector.load %arg2[%get3A, %get3A_0, %get3A_1] : memref<2x10240x16xf32, #tpu.memory_space<vmem>>, vector<1x10240x16xf32>
    %get3A_3 = vector.shape_cast %get3A_2 : vector<1x10240x16xf32> to vector<10240x16xf32>
    %slice3A = vector.extract_strided_slice %get3A_3 {offsets = [0, 0], sizes = [10240, 1], strides = [1, 1]} : vector<10240x16xf32> to vector<10240x1xf32>
    %get3A_4 = arith.constant 1 : index
    %get3A_5 = arith.constant 0 : index
    %get3A_6 = arith.constant 0 : index
    %get3A_7 = vector.load %arg2[%get3A_4, %get3A_5, %get3A_6] : memref<2x10240x16xf32, #tpu.memory_space<vmem>>, vector<1x10240x16xf32>
    %get3A_8 = vector.shape_cast %get3A_7 : vector<1x10240x16xf32> to vector<10240x16xf32>
    %slice3A_9 = vector.extract_strided_slice %get3A_8 {offsets = [0, 0], sizes = [10240, 1], strides = [1, 1]} : vector<10240x16xf32> to vector<10240x1xf32>
    %add3A = arith.addf %slice3A, %slice3A_9 : vector<10240x1xf32>
    %add3A_10 = arith.constant 1.000000e+00 : f32
    %add3A_11 = vector.broadcast %add3A_10 : f32 to vector<10240x1xf32>
    %add3A_12 = arith.addf %add3A, %add3A_11 : vector<10240x1xf32>
    %rsqrt3A = math.rsqrt %add3A_12 : vector<10240x1xf32>
    %get3A_13 = arith.constant 0 : index
    %get3A_14 = arith.constant 0 : index
    %get3A_15 = arith.constant 0 : index
    %get3A_16 = vector.load %arg0[%get3A_13, %get3A_14, %get3A_15] : memref<2x10240x16xf32, #tpu.memory_space<vmem>>, vector<1x10240x16xf32>
    %get3A_17 = vector.shape_cast %get3A_16 : vector<1x10240x16xf32> to vector<10240x16xf32>
    %get3A_18 = arith.constant 1 : index
    %get3A_19 = arith.constant 0 : index
    %get3A_20 = arith.constant 0 : index
    %get3A_21 = vector.load %arg0[%get3A_18, %get3A_19, %get3A_20] : memref<2x10240x16xf32, #tpu.memory_space<vmem>>, vector<1x10240x16xf32>
    %get3A_22 = vector.shape_cast %get3A_21 : vector<1x10240x16xf32> to vector<10240x16xf32>
    %add3A_23 = arith.addf %get3A_17, %get3A_22 : vector<10240x16xf32>
    %get3A_24 = arith.constant 0 : index
    %get3A_25 = arith.constant 0 : index
    %get3A_26 = vector.load %arg1[%get3A_24, %get3A_25] : memref<10240x16xf32, #tpu.memory_space<vmem>>, vector<10240x16xf32>
    %add3A_27 = arith.addf %add3A_23, %get3A_26 : vector<10240x16xf32>
    %mul3A = vector.broadcast %rsqrt3A : vector<10240x1xf32> to vector<10240x16xf32>
    %mul3A_28 = arith.mulf %mul3A, %add3A_27 : vector<10240x16xf32>
    %iota3A = tpu.iota {dimensions = array<i32: 0>} : vector<32x10240xi32>
    %get3A_29 = arith.constant 0 : index
    %get3A_30 = arith.constant 0 : index
    %get3A_31 = vector.load %arg3[%get3A_29, %get3A_30] : memref<1x10240xi32, #tpu.memory_space<vmem>>, vector<1x10240xi32>
    %eq3A = vector.broadcast %get3A_31 : vector<1x10240xi32> to vector<32x10240xi32>
    %eq3A_32 = arith.cmpi eq, %eq3A, %iota3A : vector<32x10240xi32>
    %convert_element_type3A = arith.extui %eq3A_32 : vector<32x10240xi1> to vector<32x10240xi32>
    %convert_element_type3A_33 = arith.sitofp %convert_element_type3A : vector<32x10240xi32> to vector<32x10240xf32>
    %dot_general3A = arith.constant dense<0.000000e+00> : vector<32x16xf32>
    %dot_general3A_34 = tpu.matmul %convert_element_type3A_33, %mul3A_28, %dot_general3A {dimension_numbers = #tpu.dot_dimension_numbers<[1], [0], [0], [1], [0, 0, 1, 1], [], []>, transpose_lhs_hint = false} : vector<32x10240xf32>, vector<10240x16xf32>, vector<32x16xf32> -> vector<32x16xf32>
    %reduce_sum3A = arith.constant dense<0.000000e+00> : vector<32xf32>
    %reduce_sum3A_35 = vector.multi_reduction <add>, %convert_element_type3A_33, %reduce_sum3A [1] : vector<32x10240xf32> to vector<32xf32>
    %broadcast_in_dim3A = vector.shape_cast %reduce_sum3A_35 : vector<32xf32> to vector<32x1xf32>
    %max3A = arith.constant 1.000000e+00 : f32
    %max3A_36 = vector.broadcast %max3A : f32 to vector<32x1xf32>
    %max3A_37 = arith.maximumf %broadcast_in_dim3A, %max3A_36 : vector<32x1xf32>
    %div3A = vector.broadcast %max3A_37 : vector<32x1xf32> to vector<32x16xf32>
    %div3A_38 = arith.divf %dot_general3A_34, %div3A : vector<32x16xf32>
    %get3A_39 = arith.constant 0 : index
    %get3A_40 = arith.constant 0 : index
    %get3A_41 = vector.load %arg4[%get3A_39, %get3A_40] : memref<1x16xf32, #tpu.memory_space<vmem>>, vector<1x16xf32>
    %add3A_42 = vector.broadcast %get3A_41 : vector<1x16xf32> to vector<32x16xf32>
    %add3A_43 = arith.addf %div3A_38, %add3A_42 : vector<32x16xf32>
    %swap3A = arith.constant 0 : index
    %swap3A_44 = arith.constant 0 : index
    %swap3A_45 = vector.load %arg5[%swap3A, %swap3A_44] : memref<32x16xf32, #tpu.memory_space<vmem>>, vector<32x16xf32>
    tpu.vector_store %arg5[%swap3A, %swap3A_44], %add3A_43 {strides = array<i32>} : memref<32x16xf32, #tpu.memory_space<vmem>>, vector<32x16xf32>,
    return
  }
}

</mosaic_0001>

<sc_bundles>
// kernel: kernel.12.cloned.1.call-start
scs
__scs_entry_jumppad:
0x0: {  	(pc) =	sbr.rel $0x88, $3  }
0x1: {  	(tag) =	ssettag $0x0;
	lr =	simm.s32 $0x1  }
0x2: {  	[smem:$0x3F9A] =	sst lr;
	_ =	strace $0xD0000000  }
0x3: {  	_ = 	snop  }
0x4: {  	_ = 	snop  }
0x5: {  	_ = 	snop  }
0x6: {  	_ = 	snop  }
0x7: {  	_ = 	snop  }
__scs_overlays_trampoline_lowered:
0x8: {  	[smem:$0x3FA9] =	sst s0  }
0x9: {  	[smem:$0x3FAA] =	sst s1  }
0xa: {  	[smem:$0x3FAB] =	sst s2  }
0xb: {  	[smem:$0x3FAC] =	sst s3  }
0xc: {  	[smem:$0x3FAD] =	sst s4  }
0xd: {  	[smem:$0x3FAE] =	sst s5  }
0xe: {  	[smem:$0x3FAF] =	sst s6  }
0xf: {  	[smem:$0x3FB0] =	sst s7  }
0x10: {  	[smem:$0x3FB1] =	sst s8  }
0x11: {  	[smem:$0x3FB2] =	sst s9;
	s0 =	simm.s32 @!p0 $0x0  }
0x12: {  	s1 =	sld [smem:$0x3F98];
	s0 =	simm.s32 @p0 $0x1  }
0x13: {  	[smem:$0x3FB3] =	sst s0;
	s0 =	simm.s32 @!p1 $0x0  }
0x14: {  	s2 =	sld [smem:$0x3F97];
	s0 =	simm.s32 @p1 $0x1  }
0x15: {  	[smem:$0x3FB4] =	sst s0;
	s0 =	simm.s32 @!p2 $0x0  }
0x16: {  	s3 =	sld [smem:$0x3FDB];
	s0 =	simm.s32 @p2 $0x1  }
0x17: {  	s4 =	simm.s32 $0x1BF5;
	[smem:$0x3FB6] =	sst s0  }
0x18: {  	s0 =	sld [smem:$0x3F99];
	_ =	swait.ge [sflag:s4], $0x0  }
0x19: {  	s7 =	sld [smem:$0x3F9A]  }
0x1a: {  	s8 =	sadd.s32 $0xFFFFE003, lr  }
0x1b: {  	s9 =	sadd.s32 $0xFFFFFEF7, lr;
	s5 =	simm.s32 $0xFFFFFFFF;
	p2 =	slt.u32 s8, $0xFFFFF086  }
0x1c: {  	p1 =	slt.u32 s9, $0xF7A;
	s5 =	simm.s32 @!p2 $0x0  }
0x1d: {  	s5 =	simm.s32 @p1 $0x1;
	p0 =	seq.s32 s7, s2  }
0x1e: {  	s7 =	smul.u32 @!p0 $0xF7A, s2;
	p2 =	seq.s32 @!p0 s5, $0x0  }
0x1f: {  	s9 =	smul.u32 $0xF7A, s1;
	s8 =	simm.s32 @!p0 $0x1BF5;
	p2 =	por !p2, p0  }
0x20: {  	[sflag:s8] =	ssyncset.s32 @!p0 $0xFFFFF086;
	s6 =	sadd.s32 @!p0 s3, s7;
	s7 =	simm.s32 @!p0 $0x108  }
0x21: {  	s3 =	sadd.s32 s3, s9;
	s6 =	sadd.s32 @!p0 $0x88, s6;
	s7 =	simm.s32 @p2 $0x1082  }
0x22: {  	[simem:s7], [sflag:s8] =	dma.local @!p0 [hbm:s6], $0xF7A  }
0x23: {  	s9 =	sor.u32 $0xD0000000, s2;
	s6 =	simm.s32 $0x108;
	_ =	swait.ge @!p0 [sflag:s8], $0x0  }
0x24: {  	s3 =	sadd.s32 $0x88, s3;
	s6 =	simm.s32 @!p1 $0x1082;
	[sflag:s4] =	ssyncset.s32 $0xFFFFF086  }
0x25: {  	[simem:s6], [sflag:s4] =	dma.local [hbm:s3], $0xF7A  }
0x26: {  	[smem:$0x3F9A] =	sst s1;
	(tag) =	ssettag s2;
	_ =	strace s9  }
0x27: {  	s1 =	sld [smem:$0x3FAA]  }
0x28: {  	s2 =	sld [smem:$0x3FAB]  }
0x29: {  	s4 =	sld [smem:$0x3FAD]  }
0x2a: {  	p0 =	seq.s32 s5, $0x0;
	s5 =	sld [smem:$0x3FAE]  }
0x2b: {  	s6 =	sld [smem:$0x3FAF]  }
0x2c: {  	s7 =	sld [smem:$0x3FB0]  }
0x2d: {  	s3 =	simm.s32 $0x108;
	s8 =	sld [smem:$0x3FB1]  }
0x2e: {  	s3 =	simm.s32 @!p0 $0x1082;
	s9 =	sld [smem:$0x3FB2]  }
0x2f: {  	lr =	sadd.s32 s0, s3;
	s0 =	sld [smem:$0x3FA9]  }
0x30: {  	s3 =	sld [smem:$0x3FAC]  }
0x31: {  	[smem:$0x3FB5] =	sst s10  }
0x32: {  	s10 =	sld [smem:$0x3FB3];
	_ =	sdelay $0x3  }
0x33: {  	p0 =	seq.s32 s10, $0x1;
	s10 =	sld [smem:$0x3FB5];
	_ =	sdelay $0x3  }
0x34: {  	[smem:$0x3FB5] =	sst s10  }
0x35: {  	s10 =	sld [smem:$0x3FB4];
	_ =	sdelay $0x3  }
0x36: {  	p1 =	seq.s32 s10, $0x1;
	s10 =	sld [smem:$0x3FB5];
	_ =	sdelay $0x3  }
0x37: {  	[smem:$0x3FB5] =	sst s10  }
0x38: {  	s10 =	sld [smem:$0x3FB6]  }
0x39: {  	_ = 	snop;
	(pc) =	sbr.ind lr, $3  }
0x3a: {  	_ = 	snop  }
0x3b: {  	_ = 	snop  }
0x3c: {  	p2 =	seq.s32 s10, $0x1;
	s10 =	sld [smem:$0x3FB5]  }
0x3d: {  	_ =	shalt  }
0x3e: {  	_ =	shalt  }
0x3f: {  	_ =	shalt  }
0x40: {  	_ =	shalt  }
0x41: {  	_ =	shalt  }
0x42: {  	_ =	shalt  }
0x43: {  	_ =	shalt  }
0x44: {  	_ =	shalt  }
0x45: {  	_ =	shalt  }
0x46: {  	_ =	shalt  }
0x47: {  	_ =	shalt  }
0x48: {  	_ =	shalt  }
0x49: {  	_ =	shalt  }
0x4a: {  	_ =	shalt  }
0x4b: {  	_ =	shalt  }
0x4c: {  	_ =	shalt  }
0x4d: {  	_ =	shalt  }
0x4e: {  	_ =	shalt  }
0x4f: {  	_ =	shalt  }
0x50: {  	_ =	shalt  }
0x51: {  	_ =	shalt  }
0x52: {  	_ =	shalt  }
0x53: {  	_ =	shalt  }
0x54: {  	_ =	shalt  }
0x55: {  	_ =	shalt  }
0x56: {  	_ =	shalt  }
0x57: {  	_ =	shalt  }
0x58: {  	_ =	shalt  }
0x59: {  	_ =	shalt  }
0x5a: {  	_ =	shalt  }
0x5b: {  	_ =	shalt  }
0x5c: {  	_ =	shalt  }
0x5d: {  	_ =	shalt  }
0x5e: {  	_ =	shalt  }
0x5f: {  	_ =	shalt  }
0x60: {  	_ =	shalt  }
0x61: {  	_ =	shalt  }
0x62: {  	_ =	shalt  }
0x63: {  	_ =	shalt  }
0x64: {  	_ =	shalt  }
0x65: {  	_ =	shalt  }
0x66: {  	_ =	shalt  }
0x67: {  	_ =	shalt  }
0x68: {  	_ =	shalt  }
0x69: {  	_ =	shalt  }
0x6a: {  	_ =	shalt  }
0x6b: {  	_ =	shalt  }
0x6c: {  	_ =	shalt  }
0x6d: {  	_ =	shalt  }
0x6e: {  	_ =	shalt  }
0x6f: {  	_ =	shalt  }
0x70: {  	_ =	shalt  }
0x71: {  	_ =	shalt  }
0x72: {  	_ =	shalt  }
0x73: {  	_ =	shalt  }
0x74: {  	_ =	shalt  }
0x75: {  	_ =	shalt  }
0x76: {  	_ =	shalt  }
0x77: {  	_ =	shalt  }
0x78: {  	_ =	shalt  }
0x79: {  	_ =	shalt  }
0x7a: {  	_ =	shalt  }
0x7b: {  	_ =	shalt  }
0x7c: {  	_ =	shalt  }
0x7d: {  	_ =	shalt  }
0x7e: {  	_ =	shalt  }
0x7f: {  	_ =	shalt  }
0x80: {  	_ =	shalt  }
0x81: {  	_ =	shalt  }
0x82: {  	_ =	shalt  }
0x83: {  	_ =	shalt  }
0x84: {  	_ =	shalt  }
0x85: {  	_ =	shalt  }
0x86: {  	_ =	shalt  }
0x87: {  	_ =	shalt  }
.Lfunc_end0:
.L_simem_size_0:
called_computation.1_lowered:
.L_overlay_start_0:
0x88: {  	s2 =	sld [smem:$0x3FD9]  }
0x89: {  	s3 =	sld [smem:$0x3FFE];
	_ =	sdelay $0x1  }
0x8a: {  	s1 =	srdreg.scid  }
0x8b: {  	s0 =	sand.u32 $0x1, s1  }
0x8c: {  	s16 =	sshll.u32 s0, $0xA;
	s2 =	sadd.s32 s3, s2  }
0x8d: {  	s2 =	sadd.s32 s2, s16  }
0x8e: {  	[smem:$0x3FC1] =	sst s2  }
0x8f: {  	_ = 	snop  }
0x90: {  	(tm) =	ssettm $0x1  }
0x91: {  	s17 =	sld [smem:$0x3FFB];
	_ =	sdelay $0x3  }
0x92: {  	_ =	strace s17  }
0x93: {  	s2 =	sld [smem:$0x3FFC];
	_ =	sdelay $0x3  }
0x94: {  	_ =	strace s2  }
0x95: {  	s2 =	sld [smem:$0x3FFD];
	_ =	sdelay $0x3  }
0x96: {  	_ =	strace s2  }
0x97: {  	_ =	strace $0x8FFFFFFF  }
0x98: {  	s18 =	sld [smem:$0x3FDB];
	_ =	sdelay $0x1  }
0x99: {  	s19 =	simm.s32 $_scs_section_size  }
0x9a: {  	s4 =	simm.s32 $_size__tile_overlayer_lowered;
	s5 =	simm.s32 $_tile_overlayer_lowered  }
0x9b: {  	s22 =	simm.s32 $0x1BFF;
	s21 =	sshll.u32 s5, $0x1;
	s2 =	sadd.s32 s19, s18  }
0x9c: {  	s6 =	simm.s32 $0x0;
	s20 =	sshll.u32 s4, $0x1;
	s4 =	sadd.s32 s21, s2  }
0x9d: {  	[timem:s6], [sflag:s22] =	dma.local [hbm:s4], s20  }
0x9e: {  	_ =	swait.ge [sflag:s22], s20  }
0x9f: {  	s3 =	ssub.s32 $0x0, s20;
	[sflag:s22] =	ssyncset.done $0x0  }
0xa0: {  	[sflag:s22] =	ssyncadd.s32 s3;
	_ =	sdelay $0x1  }
0xa1: {  	s23 =	simm.s32 $0x1B8B  }
0xa2: {  	_ =	swait.ge [sflag:s23], $0x1  }
0xa3: {  	[sflag:s23] =	ssyncset.done $0x0  }
0xa4: {  	s25 =	simm.s32 $0x1B8E;
	s24 =	sld [smem:$0x3FFE];
	[sflag:s23] =	ssyncadd.s32 $0xFFFFFFFF  }
0xa5: {  	s26 =	simm.s32 $execute0_lowered;
	[smem:$0x3FD2] =	sst s25  }
0xa6: {  	s4 =	sshll.u32 s26, $0x1;
	_ =	strace $0x80000049;
	[dreg:$0x1] =	wrdreg $0xFFFFFFFF  }
0xa7: {  	s28 =	simm.s32 $_size_execute0_lowered;
	s2 =	sadd.s32 s2, s4;
	[dreg:$0x0] =	wrdreg $0x0  }
0xa8: {  	s4 =	sshll.u32 s28, $0x1;
	[dreg:$0x2] =	wrdreg s2  }
0xa9: {  	[dreg:$0x3] =	wrdreg s4  }
0xaa: {  	[dreg:$0x4] =	wrdreg $0xC0  }
0xab: {  	_ =	task [dreg:s6], $0x5FFFF  }
0xac: {  	[dreg:$0x1] =	wrdreg $0xFFFFFFFF  }
0xad: {  	[dreg:$0x0] =	wrdreg $0x60  }
0xae: {  	[dreg:$0x2] =	wrdreg s24  }
0xaf: {  	[dreg:$0x3] =	wrdreg $0x91000  }
0xb0: {  	[dreg:$0x4] =	wrdreg $0x131000  }
0xb1: {  	[dreg:$0x5] =	wrdreg $0x9  }
0xb2: {  	_ =	task.clear_ibuf [dreg:s6], $0x6FFFF;
	_ =	strace $0x90000049  }
0xb3: {  	s29 =	simm.s32 $0x9;
	_ =	strace $0x8000004B  }
0xb4: {  	_ =	swait.ge [sflag:s29], $0x1  }
0xb5: {  	[sflag:s29] =	ssyncadd.s32 $0xFFFFFFFF  }
0xb6: {  	_ =	strace $0x9000004B  }
0xb7: {  	_ =	sfence  }
0xb8: {  	s30 =	sld [smem:$0x0];
	_ =	sdelay $0x2  }
0xb9: {  	s31 =	sshll.u32 s1, $0xD;
	s1 =	sshrl.u32 s1, $0x2  }
0xba: {  	s3 =	sand.u32 $0x4000, s31;
	s1 =	sadd.s32 s1, s30  }
0xbb: {  	s0 =	sor.u32 s3, s0;
	s1 =	sshll.u32 s1, $0x11  }
0xbc: {  	s0 =	sor.u32 s1, s0  }
0xbd: {  	s0 =	sadd.s32 $0x8F2B, s0  }
0xbe: {  	[sflag:s0] =	ssyncadd.remote.s32 $0x1  }
0xbf: {  	_ =	sfence.sel $0xFFFF  }
0xc0: {  	[dreg:$0x0] =	wrdreg $0xFFFFFFFF;
	(pc) =	sbr.abs _section_cstart, $3  }
0xc1: {  	[dreg:$0x1] =	wrdreg $0xFFFFFFFF  }
0xc2: {  	_ =	task.clear_ibuf [dreg:s6], $0x2FFFF;
	_ =	strace $0x9FFFFFFF  }
0xc3: {  	(tm) =	ssettm $0x7FFFFFFF  }
tec
execute0_lowered:
.L_overlay_start_1:
0x0: {  	(tag) =	ssettag $0x1  }
0x1: {  	s6 =	rddreg [dreg:$0x0]  }
0x2: {  	s2 =	rddreg [dreg:$0x1]  }
0x3: {  	s0 =	stileid.u32;
	s1 =	srdreg.scid  }
0x4: {  	s3 =	rddreg [dreg:$0x2];
	s4 =	simm.s32 $0x0;
	s15 =	simm.s32 $0x80  }
0x5: {  	s16 =	simm.s32 $0x5100;
	s17 =	simm.s32 $0x7100;
	s18 =	simm.s32 $0x5000  }
0x6: {  	s19 =	simm.s32 $0x1;
	s20 =	simm.s32 $0x2;
	s21 =	simm.s32 $0x5080  }
0x7: {  	s22 =	simm.s32 $0x3;
	s23 =	simm.s32 $0x4;
	s24 =	simm.s32 $0x0  }
0x8: {  	s5 =	smul.u32 $0xA00, s0;
	s7 =	sand.u32 $0x1, s1;
	s1 =	rddreg [dreg:$0x3]  }
0x9: {  	[smem:$0x7FF] =	sst s4;
	s9 =	smul.u32 $0xA000, s0;
	s31 =	sshll.u32 s0, $0x6  }
0xa: {  	s8 =	smul.u32 $0xA0000, s7;
	_ =	strace $0x8000004A;
	s7 =	ssub.s32 $0x2, s7  }
0xb: {  	s11 =	sadd.s32 s5, s6;
	s5 =	sadd.s32 $0xCA00, s6;
	s10 =	sshrl.u32 s7, $0x1  }
0xc: {  	s13 =	sadd.s32 s9, s2;
	s14 =	sadd.s32 s9, s3;
	s8 =	sadd.s32 s9, s8  }
0xd: {  	s10 =	ssub.s32 s7, s10;
	s7 =	sor.u32 $0x1C05, s31;
	s8 =	sshrl.u32 s8, $0x3  }
0xe: {  	s14 =	sshrl.u32 s14, $0x3;
	s10 =	smax.u32 s10, $0x1;
	s12 =	sadd.s32 s8, s6  }
0xf: {  	s8 =	sadd.s32 $0x16C00, s11;
	s11 =	sadd.s32 $0x2400, s11;
	s6 =	sadd.s32 $0x98C00, s12  }
0x10: {  	s9 =	sadd.s32 $0xC0C00, s12;
	s12 =	sshrl.u32 s13, $0x3;
	s13 =	simm.s32 $0x5  }
.LBB2_1:
0x11: {  	[spmem:s12], [sflag:s7] =	dma.local [hbm:s6], $0x1400  }
0x12: {  	_ =	swait.ge [sflag:s13], $0x1400  }
0x13: {  	[sflag:s13] =	ssyncset.done $0x0  }
0x14: {  	[sflag:s13] =	ssyncadd.s32 $0xFFFFEC00  }
0x15: {  	[spmem:s14], [sflag:s7] =	dma.local [hbm:s5], $0x1400  }
0x16: {  	_ =	swait.ge [sflag:s13], $0x1400  }
0x17: {  	[sflag:s13] =	ssyncset.done $0x0  }
0x18: {  	[sflag:s13] =	ssyncadd.s32 $0xFFFFEC00  }
0x19: {  	[tilespmem:s4], [sflag:$0x5] =	stream.linear.gather [hbm4b:s8+s4], $0x5000, $0x38;
	[tilespmem:$0x1D100] =	vst v63  }
0x1a: {  	_ =	swait.ge [sflag:s13], $0x5000  }
0x1b: {  	[sflag:s13] =	ssyncset.done $0x0  }
0x1c: {  	[sflag:s13] =	ssyncadd.s32 $0xFFFFB000  }
0x1d: {  	s25 =	simm.s32 $0x0;
	[bflag:$0x0] =	sbarrier.arrive $0xFFFF  }
0x1e: {  	[tilespmem:s16], [sflag:$0x1] =	stream.indirect.gather [spmem:s2], $0x40, s25, s15, $0xb8;
	[tilespmem:$0x1D100] =	vst v63  }
0x1f: {  	_ = 	snop  }
0x20: {  	[tilespmem:s17], [sflag:$0x2] =	stream.indirect.gather [spmem:s2], $0x40, s15, s15, $0xb8;
	[tilespmem:$0x1D100] =	vst v63  }
0x21: {  	s31 =	sadd.s32 $0x0, s11  }
0x22: {  	[tilespmem:s18], [sflag:$0x5] =	stream.linear.gather [hbm4b:s31+s4], $0x100, $0x38;
	[tilespmem:$0x1D100] =	vst v63  }
0x23: {  	_ =	swait.ge [sflag:s13], $0x100  }
0x24: {  	[sflag:s13] =	ssyncset.done $0x0  }
0x25: {  	[sflag:s13] =	ssyncadd.s32 $0xFFFFFF00  }
0x26: {  	_ =	swait.ge [sflag:s19], $0x2000  }
0x27: {  	[sflag:s19] =	ssyncset.done $0x0  }
0x28: {  	[sflag:s19] =	ssyncadd.s32 $0xFFFFE000  }
0x29: {  	[spmem:s3] =	stream.indirect.scatter.add.f32 [tilespmem:s16], [sflag:$0x3], $0x40, s18, s15, $0xb8;
	[tilespmem:$0x1D100] =	vst v63  }
0x2a: {  	_ =	swait.ge [sflag:s20], $0x2000  }
0x2b: {  	[sflag:s20] =	ssyncset.done $0x0  }
0x2c: {  	[sflag:s20] =	ssyncadd.s32 $0xFFFFE000  }
0x2d: {  	[spmem:s3] =	stream.indirect.scatter.add.f32 [tilespmem:s17], [sflag:$0x4], $0x40, s21, s15, $0xb8;
	[tilespmem:$0x1D100] =	vst v63  }
0x2e: {  	_ =	swait.ge [sflag:s22], $0x2000  }
0x2f: {  	[sflag:s22] =	ssyncset.done $0x0  }
0x30: {  	[sflag:s22] =	ssyncadd.s32 $0xFFFFE000  }
0x31: {  	s28 =	simm.s32 $0x40;
	_ =	swait.ge [sflag:s23], $0x2000  }
0x32: {  	s26 =	simm.s32 $0x180;
	s25 =	simm.s32 $0x20;
	[sflag:s23] =	ssyncset.done $0x0  }
.LBB2_2:
0x33: {  	p0 =	sne.s32 s28, $0x9E0;
	s29 =	sadd.s32 $0xFFFFFF80, s26;
	[sflag:s23] =	ssyncadd.s32 $0xFFFFE000  }
0x34: {  	[tilespmem:s16], [sflag:$0x1] =	stream.indirect.gather [spmem:s2], $0x40, s29, s15, $0xb8;
	[tilespmem:$0x1D100] =	vst v63  }
0x35: {  	s29 =	smov.u32 s28;
	s28 =	sadd.s32 $0x20, s28  }
0x36: {  	[tilespmem:s17], [sflag:$0x2] =	stream.indirect.gather [spmem:s2], $0x40, s26, s15, $0xb8;
	[tilespmem:$0x1D100] =	vst v63  }
0x37: {  	s30 =	sadd.s32 s25, s11;
	s25 =	smov.u32 s29  }
0x38: {  	[tilespmem:s18], [sflag:$0x5] =	stream.linear.gather [hbm4b:s30+s4], $0x100, $0x38;
	[tilespmem:$0x1D100] =	vst v63  }
0x39: {  	_ =	swait.ge [sflag:s13], $0x100  }
0x3a: {  	[sflag:s13] =	ssyncset.done $0x0  }
0x3b: {  	[sflag:s13] =	ssyncadd.s32 $0xFFFFFF00  }
0x3c: {  	_ =	swait.ge [sflag:s19], $0x2000  }
0x3d: {  	[sflag:s19] =	ssyncset.done $0x0  }
0x3e: {  	[sflag:s19] =	ssyncadd.s32 $0xFFFFE000  }
0x3f: {  	[spmem:s3] =	stream.indirect.scatter.add.f32 [tilespmem:s16], [sflag:$0x3], $0x40, s18, s15, $0xb8;
	[tilespmem:$0x1D100] =	vst v63  }
0x40: {  	_ =	swait.ge [sflag:s20], $0x2000  }
0x41: {  	[sflag:s20] =	ssyncset.done $0x0  }
0x42: {  	[sflag:s20] =	ssyncadd.s32 $0xFFFFE000  }
0x43: {  	[spmem:s3] =	stream.indirect.scatter.add.f32 [tilespmem:s17], [sflag:$0x4], $0x40, s21, s15, $0xb8;
	[tilespmem:$0x1D100] =	vst v63  }
.Ltmp0:
0x44: {  	_ =	swait.ge [sflag:s22], $0x2000;
	(pc) =	sbr.rel @p0 .LBB2_2-.Ltmp0, $4  }
0x45: {  	[sflag:s22] =	ssyncset.done $0x0  }
0x46: {  	[sflag:s22] =	ssyncadd.s32 $0xFFFFE000  }
0x47: {  	_ =	swait.ge [sflag:s23], $0x2000  }
0x48: {  	s26 =	sadd.s32 $0x100, s26;
	[sflag:s23] =	ssyncset.done $0x0  }
0x49: {  	s28 =	sadd.s32 $0xFFFFFF80, s26;
	[sflag:s23] =	ssyncadd.s32 $0xFFFFE000  }
0x4a: {  	[tilespmem:s16], [sflag:$0x1] =	stream.indirect.gather [spmem:s2], $0x40, s28, s15, $0xb8;
	[tilespmem:$0x1D100] =	vst v63  }
0x4b: {  	_ = 	snop  }
0x4c: {  	[tilespmem:s17], [sflag:$0x2] =	stream.indirect.gather [spmem:s2], $0x40, s26, s15, $0xb8;
	[tilespmem:$0x1D100] =	vst v63  }
0x4d: {  	s25 =	sadd.s32 s25, s11  }
0x4e: {  	[tilespmem:s18], [sflag:$0x5] =	stream.linear.gather [hbm4b:s25+s4], $0x100, $0x38;
	[tilespmem:$0x1D100] =	vst v63  }
0x4f: {  	_ =	swait.ge [sflag:s13], $0x100  }
0x50: {  	[sflag:s13] =	ssyncset.done $0x0  }
0x51: {  	[sflag:s13] =	ssyncadd.s32 $0xFFFFFF00  }
0x52: {  	_ =	swait.ge [sflag:s19], $0x2000  }
0x53: {  	[sflag:s19] =	ssyncset.done $0x0  }
0x54: {  	[sflag:s19] =	ssyncadd.s32 $0xFFFFE000  }
0x55: {  	[spmem:s3] =	stream.indirect.scatter.add.f32 [tilespmem:s16], [sflag:$0x3], $0x40, s18, s15, $0xb8;
	[tilespmem:$0x1D100] =	vst v63  }
0x56: {  	_ =	swait.ge [sflag:s20], $0x2000  }
0x57: {  	[sflag:s20] =	ssyncset.done $0x0  }
0x58: {  	[sflag:s20] =	ssyncadd.s32 $0xFFFFE000  }
0x59: {  	[spmem:s3] =	stream.indirect.scatter.add.f32 [tilespmem:s17], [sflag:$0x4], $0x40, s21, s15, $0xb8;
	[tilespmem:$0x1D100] =	vst v63  }
0x5a: {  	_ =	swait.ge [sflag:s22], $0x2000  }
0x5b: {  	[sflag:s22] =	ssyncset.done $0x0  }
0x5c: {  	[sflag:s22] =	ssyncadd.s32 $0xFFFFE000  }
0x5d: {  	_ =	swait.ge [sflag:s23], $0x2000  }
0x5e: {  	s24 =	sadd.s32 $0x1, s24;
	[sflag:s23] =	ssyncset.done $0x0  }
0x5f: {  	p0 =	sne.s32 s24, s10;
	[sflag:s23] =	ssyncadd.s32 $0xFFFFE000  }
.Ltmp1:
0x60: {  	[bflag:$0x0] =	sbarrier.arrive $0xFFFF;
	(pc) =	sbr.rel @p0 .LBB2_1-.Ltmp1, $4  }
0x61: {  	[hbm:s9], [sflag:s7] =	dma.local [spmem:s14], $0x1400  }
0x62: {  	_ =	swait.ge [sflag:s13], $0x1400  }
0x63: {  	[sflag:s13] =	ssyncset.done $0x0  }
0x64: {  	[sflag:s13] =	ssyncadd.s32 $0xFFFFEC00  }
0x65: {  	_ =	sfence.sel $0x180000  }
0x66: {  	[bflag:$0x0] =	sbarrier.arrive $0xFFFF  }
0x67: {  	p0 =	sne.s32 s0, $0x0;
	_ =	strace $0x9000004A  }
0x68: {  	s0 =	sadd.s32 @!p0 $0x100000, s1;
	[bflag:$0x2] =	sbarrier.arrive $0xFFFF  }
0x69: {  	[sflag:s0] =	ssyncadd.tile.s32 @!p0 $0x1;
	_ =	shalt  }
.Lfunc_end2:
_tile_overlayer_lowered:
.L_overlay_start_2:
0x6a: {  	(tag) =	ssettag $0x2  }
0x6b: {  	s0 =	rddreg [dreg:$0x0];
	s2 =	stileid.u32  }
0x6c: {  	s1 =	rddreg [dreg:$0x1];
	p0 =	sne.s32 s2, $0x0  }
0x6d: {  	s3 =	rddreg [dreg:$0x2];
	[bflag:$0x3] =	sbarrier.arrive $0xFFFF;
	s2 =	simm.s32 @!p0 $0x1C05  }
0x6e: {  	[timem:s3], [sflag:s2] =	dma.local @!p0 [hbm:s0], s1  }
0x6f: {  	s0 =	simm.s32 @!p0 $0x5  }
0x70: {  	_ =	swait.ge @!p0 [sflag:s0], s1  }
0x71: {  	s1 =	ssub.s32 @!p0 $0x0, s1;
	[sflag:s0] =	ssyncset.done @!p0 $0x0  }
0x72: {  	[sflag:s0] =	ssyncadd.s32 @!p0 s1  }
0x73: {  	[bflag:$0x3] =	sbarrier.arrive $0xFFFF  }
0x74: {  	_ =	shalt  }

// kernel: kernel.15.cloned.1.call-start
scs
__scs_entry_jumppad:
0x0: {  	(pc) =	sbr.rel $0x88, $3  }
0x1: {  	(tag) =	ssettag $0x0;
	lr =	simm.s32 $0x1  }
0x2: {  	[smem:$0x3F9A] =	sst lr;
	_ =	strace $0xD0000000  }
0x3: {  	_ = 	snop  }
0x4: {  	_ = 	snop  }
0x5: {  	_ = 	snop  }
0x6: {  	_ = 	snop  }
0x7: {  	_ = 	snop  }
__scs_overlays_trampoline_lowered:
0x8: {  	[smem:$0x3FA9] =	sst s0  }
0x9: {  	[smem:$0x3FAA] =	sst s1  }
0xa: {  	[smem:$0x3FAB] =	sst s2  }
0xb: {  	[smem:$0x3FAC] =	sst s3  }
0xc: {  	[smem:$0x3FAD] =	sst s4  }
0xd: {  	[smem:$0x3FAE] =	sst s5  }
0xe: {  	[smem:$0x3FAF] =	sst s6  }
0xf: {  	[smem:$0x3FB0] =	sst s7  }
0x10: {  	[smem:$0x3FB1] =	sst s8  }
0x11: {  	[smem:$0x3FB2] =	sst s9;
	s0 =	simm.s32 @!p0 $0x0  }
0x12: {  	s1 =	sld [smem:$0x3F98];
	s0 =	simm.s32 @p0 $0x1  }
0x13: {  	[smem:$0x3FB3] =	sst s0;
	s0 =	simm.s32 @!p1 $0x0  }
0x14: {  	s2 =	sld [smem:$0x3F97];
	s0 =	simm.s32 @p1 $0x1  }
0x15: {  	[smem:$0x3FB4] =	sst s0;
	s0 =	simm.s32 @!p2 $0x0  }
0x16: {  	s3 =	sld [smem:$0x3FDB];
	s0 =	simm.s32 @p2 $0x1  }
0x17: {  	s4 =	simm.s32 $0x1BF5;
	[smem:$0x3FB6] =	sst s0  }
0x18: {  	s0 =	sld [smem:$0x3F99];
	_ =	swait.ge [sflag:s4], $0x0  }
0x19: {  	s7 =	sld [smem:$0x3F9A]  }
0x1a: {  	s8 =	sadd.s32 $0xFFFFE003, lr  }
0x1b: {  	s9 =	sadd.s32 $0xFFFFFEF7, lr;
	s5 =	simm.s32 $0xFFFFFFFF;
	p2 =	slt.u32 s8, $0xFFFFF086  }
0x1c: {  	p1 =	slt.u32 s9, $0xF7A;
	s5 =	simm.s32 @!p2 $0x0  }
0x1d: {  	s5 =	simm.s32 @p1 $0x1;
	p0 =	seq.s32 s7, s2  }
0x1e: {  	s7 =	smul.u32 @!p0 $0xF7A, s2;
	p2 =	seq.s32 @!p0 s5, $0x0  }
0x1f: {  	s9 =	smul.u32 $0xF7A, s1;
	s8 =	simm.s32 @!p0 $0x1BF5;
	p2 =	por !p2, p0  }
0x20: {  	[sflag:s8] =	ssyncset.s32 @!p0 $0xFFFFF086;
	s6 =	sadd.s32 @!p0 s3, s7;
	s7 =	simm.s32 @!p0 $0x108  }
0x21: {  	s3 =	sadd.s32 s3, s9;
	s6 =	sadd.s32 @!p0 $0x88, s6;
	s7 =	simm.s32 @p2 $0x1082  }
0x22: {  	[simem:s7], [sflag:s8] =	dma.local @!p0 [hbm:s6], $0xF7A  }
0x23: {  	s9 =	sor.u32 $0xD0000000, s2;
	s6 =	simm.s32 $0x108;
	_ =	swait.ge @!p0 [sflag:s8], $0x0  }
0x24: {  	s3 =	sadd.s32 $0x88, s3;
	s6 =	simm.s32 @!p1 $0x1082;
	[sflag:s4] =	ssyncset.s32 $0xFFFFF086  }
0x25: {  	[simem:s6], [sflag:s4] =	dma.local [hbm:s3], $0xF7A  }
0x26: {  	[smem:$0x3F9A] =	sst s1;
	(tag) =	ssettag s2;
	_ =	strace s9  }
0x27: {  	s1 =	sld [smem:$0x3FAA]  }
0x28: {  	s2 =	sld [smem:$0x3FAB]  }
0x29: {  	s4 =	sld [smem:$0x3FAD]  }
0x2a: {  	p0 =	seq.s32 s5, $0x0;
	s5 =	sld [smem:$0x3FAE]  }
0x2b: {  	s6 =	sld [smem:$0x3FAF]  }
0x2c: {  	s7 =	sld [smem:$0x3FB0]  }
0x2d: {  	s3 =	simm.s32 $0x108;
	s8 =	sld [smem:$0x3FB1]  }
0x2e: {  	s3 =	simm.s32 @!p0 $0x1082;
	s9 =	sld [smem:$0x3FB2]  }
0x2f: {  	lr =	sadd.s32 s0, s3;
	s0 =	sld [smem:$0x3FA9]  }
0x30: {  	s3 =	sld [smem:$0x3FAC]  }
0x31: {  	[smem:$0x3FB5] =	sst s10  }
0x32: {  	s10 =	sld [smem:$0x3FB3];
	_ =	sdelay $0x3  }
0x33: {  	p0 =	seq.s32 s10, $0x1;
	s10 =	sld [smem:$0x3FB5];
	_ =	sdelay $0x3  }
0x34: {  	[smem:$0x3FB5] =	sst s10  }
0x35: {  	s10 =	sld [smem:$0x3FB4];
	_ =	sdelay $0x3  }
0x36: {  	p1 =	seq.s32 s10, $0x1;
	s10 =	sld [smem:$0x3FB5];
	_ =	sdelay $0x3  }
0x37: {  	[smem:$0x3FB5] =	sst s10  }
0x38: {  	s10 =	sld [smem:$0x3FB6]  }
0x39: {  	_ = 	snop;
	(pc) =	sbr.ind lr, $3  }
0x3a: {  	_ = 	snop  }
0x3b: {  	_ = 	snop  }
0x3c: {  	p2 =	seq.s32 s10, $0x1;
	s10 =	sld [smem:$0x3FB5]  }
0x3d: {  	_ =	shalt  }
0x3e: {  	_ =	shalt  }
0x3f: {  	_ =	shalt  }
0x40: {  	_ =	shalt  }
0x41: {  	_ =	shalt  }
0x42: {  	_ =	shalt  }
0x43: {  	_ =	shalt  }
0x44: {  	_ =	shalt  }
0x45: {  	_ =	shalt  }
0x46: {  	_ =	shalt  }
0x47: {  	_ =	shalt  }
0x48: {  	_ =	shalt  }
0x49: {  	_ =	shalt  }
0x4a: {  	_ =	shalt  }
0x4b: {  	_ =	shalt  }
0x4c: {  	_ =	shalt  }
0x4d: {  	_ =	shalt  }
0x4e: {  	_ =	shalt  }
0x4f: {  	_ =	shalt  }
0x50: {  	_ =	shalt  }
0x51: {  	_ =	shalt  }
0x52: {  	_ =	shalt  }
0x53: {  	_ =	shalt  }
0x54: {  	_ =	shalt  }
0x55: {  	_ =	shalt  }
0x56: {  	_ =	shalt  }
0x57: {  	_ =	shalt  }
0x58: {  	_ =	shalt  }
0x59: {  	_ =	shalt  }
0x5a: {  	_ =	shalt  }
0x5b: {  	_ =	shalt  }
0x5c: {  	_ =	shalt  }
0x5d: {  	_ =	shalt  }
0x5e: {  	_ =	shalt  }
0x5f: {  	_ =	shalt  }
0x60: {  	_ =	shalt  }
0x61: {  	_ =	shalt  }
0x62: {  	_ =	shalt  }
0x63: {  	_ =	shalt  }
0x64: {  	_ =	shalt  }
0x65: {  	_ =	shalt  }
0x66: {  	_ =	shalt  }
0x67: {  	_ =	shalt  }
0x68: {  	_ =	shalt  }
0x69: {  	_ =	shalt  }
0x6a: {  	_ =	shalt  }
0x6b: {  	_ =	shalt  }
0x6c: {  	_ =	shalt  }
0x6d: {  	_ =	shalt  }
0x6e: {  	_ =	shalt  }
0x6f: {  	_ =	shalt  }
0x70: {  	_ =	shalt  }
0x71: {  	_ =	shalt  }
0x72: {  	_ =	shalt  }
0x73: {  	_ =	shalt  }
0x74: {  	_ =	shalt  }
0x75: {  	_ =	shalt  }
0x76: {  	_ =	shalt  }
0x77: {  	_ =	shalt  }
0x78: {  	_ =	shalt  }
0x79: {  	_ =	shalt  }
0x7a: {  	_ =	shalt  }
0x7b: {  	_ =	shalt  }
0x7c: {  	_ =	shalt  }
0x7d: {  	_ =	shalt  }
0x7e: {  	_ =	shalt  }
0x7f: {  	_ =	shalt  }
0x80: {  	_ =	shalt  }
0x81: {  	_ =	shalt  }
0x82: {  	_ =	shalt  }
0x83: {  	_ =	shalt  }
0x84: {  	_ =	shalt  }
0x85: {  	_ =	shalt  }
0x86: {  	_ =	shalt  }
0x87: {  	_ =	shalt  }
.Lfunc_end0:
.L_simem_size_0:
called_computation.2_lowered:
.L_overlay_start_0:
0x88: {  	s2 =	sld [smem:$0x3FD9]  }
0x89: {  	s3 =	sld [smem:$0x3FFE];
	_ =	sdelay $0x1  }
0x8a: {  	s1 =	srdreg.scid  }
0x8b: {  	s0 =	sand.u32 $0x1, s1  }
0x8c: {  	s16 =	sshll.u32 s0, $0xA;
	s2 =	sadd.s32 s3, s2  }
0x8d: {  	s2 =	sadd.s32 s2, s16  }
0x8e: {  	[smem:$0x3FC1] =	sst s2  }
0x8f: {  	_ = 	snop  }
0x90: {  	(tm) =	ssettm $0x1  }
0x91: {  	s17 =	sld [smem:$0x3FFB];
	_ =	sdelay $0x3  }
0x92: {  	_ =	strace s17  }
0x93: {  	s2 =	sld [smem:$0x3FFC];
	_ =	sdelay $0x3  }
0x94: {  	_ =	strace s2  }
0x95: {  	s2 =	sld [smem:$0x3FFD];
	_ =	sdelay $0x3  }
0x96: {  	_ =	strace s2  }
0x97: {  	_ =	strace $0x8FFFFFFF  }
0x98: {  	s18 =	sld [smem:$0x3FDB];
	_ =	sdelay $0x1  }
0x99: {  	s19 =	simm.s32 $_scs_section_size  }
0x9a: {  	s4 =	simm.s32 $_size__tile_overlayer_lowered;
	s5 =	simm.s32 $_tile_overlayer_lowered  }
0x9b: {  	s22 =	simm.s32 $0x1BFF;
	s21 =	sshll.u32 s5, $0x1;
	s2 =	sadd.s32 s19, s18  }
0x9c: {  	s6 =	simm.s32 $0x0;
	s20 =	sshll.u32 s4, $0x1;
	s4 =	sadd.s32 s21, s2  }
0x9d: {  	[timem:s6], [sflag:s22] =	dma.local [hbm:s4], s20  }
0x9e: {  	_ =	swait.ge [sflag:s22], s20  }
0x9f: {  	s3 =	ssub.s32 $0x0, s20;
	[sflag:s22] =	ssyncset.done $0x0  }
0xa0: {  	[sflag:s22] =	ssyncadd.s32 s3;
	_ =	sdelay $0x1  }
0xa1: {  	s23 =	simm.s32 $0x1B8B  }
0xa2: {  	_ =	swait.ge [sflag:s23], $0x1  }
0xa3: {  	[sflag:s23] =	ssyncset.done $0x0  }
0xa4: {  	s25 =	simm.s32 $0x1B8E;
	s24 =	sld [smem:$0x3FFE];
	[sflag:s23] =	ssyncadd.s32 $0xFFFFFFFF  }
0xa5: {  	s26 =	simm.s32 $execute0_lowered;
	[smem:$0x3FD2] =	sst s25  }
0xa6: {  	s4 =	sshll.u32 s26, $0x1;
	_ =	strace $0x8000004C;
	[dreg:$0x1] =	wrdreg $0xFFFFFFFF  }
0xa7: {  	s28 =	simm.s32 $_size_execute0_lowered;
	s2 =	sadd.s32 s2, s4;
	[dreg:$0x0] =	wrdreg $0x0  }
0xa8: {  	s4 =	sshll.u32 s28, $0x1;
	[dreg:$0x2] =	wrdreg s2  }
0xa9: {  	[dreg:$0x3] =	wrdreg s4  }
0xaa: {  	[dreg:$0x4] =	wrdreg $0xC0  }
0xab: {  	_ =	task [dreg:s6], $0x5FFFF  }
0xac: {  	[dreg:$0x1] =	wrdreg $0xFFFFFFFF  }
0xad: {  	[dreg:$0x0] =	wrdreg $0x60  }
0xae: {  	[dreg:$0x2] =	wrdreg s24  }
0xaf: {  	[dreg:$0x3] =	wrdreg $0x6C000  }
0xb0: {  	[dreg:$0x4] =	wrdreg $0x94000  }
0xb1: {  	[dreg:$0x5] =	wrdreg $0x9  }
0xb2: {  	_ =	task.clear_ibuf [dreg:s6], $0x6FFFF;
	_ =	strace $0x9000004C  }
0xb3: {  	s29 =	simm.s32 $0x9;
	_ =	strace $0x8000004E  }
0xb4: {  	_ =	swait.ge [sflag:s29], $0x1  }
0xb5: {  	[sflag:s29] =	ssyncadd.s32 $0xFFFFFFFF  }
0xb6: {  	_ =	strace $0x9000004E  }
0xb7: {  	_ =	sfence  }
0xb8: {  	s30 =	sld [smem:$0x0];
	_ =	sdelay $0x2  }
0xb9: {  	s31 =	sshll.u32 s1, $0xD;
	s1 =	sshrl.u32 s1, $0x2  }
0xba: {  	s3 =	sand.u32 $0x4000, s31;
	s1 =	sadd.s32 s1, s30  }
0xbb: {  	s0 =	sor.u32 s3, s0;
	s1 =	sshll.u32 s1, $0x11  }
0xbc: {  	s0 =	sor.u32 s1, s0  }
0xbd: {  	s0 =	sadd.s32 $0x8F2B, s0  }
0xbe: {  	[sflag:s0] =	ssyncadd.remote.s32 $0x1  }
0xbf: {  	_ =	sfence.sel $0xFFFF  }
0xc0: {  	[dreg:$0x0] =	wrdreg $0xFFFFFFFF;
	(pc) =	sbr.abs _section_cstart, $3  }
0xc1: {  	[dreg:$0x1] =	wrdreg $0xFFFFFFFF  }
0xc2: {  	_ =	task.clear_ibuf [dreg:s6], $0x2FFFF;
	_ =	strace $0x9FFFFFFF  }
0xc3: {  	(tm) =	ssettm $0x7FFFFFFF  }
tec
execute0_lowered:
.L_overlay_start_1:
0x0: {  	(tag) =	ssettag $0x1  }
0x1: {  	s0 =	rddreg [dreg:$0x0]  }
0x2: {  	s2 =	rddreg [dreg:$0x1]  }
0x3: {  	s1 =	srdreg.scid;
	s3 =	rddreg [dreg:$0x2]  }
0x4: {  	s8 =	stileid.u32;
	s7 =	simm.s32 $0x0;
	s20 =	simm.s32 $0x2880  }
0x5: {  	s21 =	simm.s32 $0x2900;
	s22 =	simm.s32 $0x2980;
	s23 =	simm.s32 $0x2A00  }
0x6: {  	s24 =	simm.s32 $0x2A80;
	s25 =	simm.s32 $0x2B00;
	s26 =	simm.s32 $0x2B80  }
0x7: {  	s28 =	simm.s32 $0x3;
	s29 =	simm.s32 $0x4;
	[smem:$0x7FF] =	sst s7  }
0x8: {  	s30 =	simm.s32 $0x5;
	_ =	strace $0x8000004D;
	[dreg:$0x4] =	wrdreg s20  }
0x9: {  	s31 =	simm.s32 $0x6;
	s9 =	simm.s32 $0xC;
	[dreg:$0x5] =	wrdreg s21  }
0xa: {  	s10 =	simm.s32 $0xD;
	s12 =	simm.s32 $0xE;
	[dreg:$0x6] =	wrdreg s22  }
0xb: {  	s11 =	simm.s32 $0xF;
	s13 =	simm.s32 $0x0;
	[dreg:$0x7] =	wrdreg s23  }
0xc: {  	s1 =	sand.u32 $0x1, s1;
	s4 =	smul.u32 $0x2800, s8;
	[dreg:$0x8] =	wrdreg s24  }
0xd: {  	s5 =	sshll.u32 s1, $0x4;
	s6 =	smul.u32 $0x28000, s1;
	[dreg:$0x9] =	wrdreg s25  }
0xe: {  	s1 =	ssub.s32 $0x2, s1;
	[dreg:$0xa] =	wrdreg s26;
	s26 =	simm.s32 $0x2  }
0xf: {  	s25 =	simm.s32 $0x2800;
	s5 =	sor.u32 s8, s5;
	s14 =	sshrl.u32 s4, $0x3  }
0x10: {  	s15 =	sshrl.u32 s1, $0x1;
	s16 =	sadd.s32 s4, s2;
	s8 =	sshll.u32 s8, $0x6  }
0x11: {  	s5 =	smul.u32 $0x500, s5;
	s7 =	sadd.s32 s14, s0;
	s6 =	sadd.s32 s4, s6  }
0x12: {  	s4 =	sadd.s32 s4, s3;
	s19 =	sshrl.u32 s16, $0x3;
	s6 =	sshrl.u32 s6, $0x3  }
0x13: {  	s7 =	sadd.s32 $0xCA00, s7;
	[dreg:$0x12] =	wrdreg s19;
	s5 =	sadd.s32 s5, s0  }
0x14: {  	s6 =	sadd.s32 s6, s0;
	s0 =	sadd.s32 $0xC400, s0;
	[dreg:$0xc] =	wrdreg s7  }
0x15: {  	s14 =	simm.s32 $0x10;
	s7 =	sor.u32 $0x1C11, s8;
	[dreg:$0xb] =	wrdreg s0  }
0x16: {  	s8 =	simm.s32 $0xB;
	s5 =	sadd.s32 $0x16C00, s5;
	[dreg:$0xd] =	wrdreg s7  }
0x17: {  	s0 =	ssub.s32 s1, s15;
	s17 =	sadd.s32 $0x70C00, s6;
	[dreg:$0xe] =	wrdreg s5  }
0x18: {  	s18 =	sadd.s32 $0x2400, s6;
	s15 =	simm.s32 $0x80;
	[dreg:$0xf] =	wrdreg s17  }
0x19: {  	s1 =	simm.s32 $0x8;
	s0 =	smax.u32 s0, $0x1;
	[dreg:$0x11] =	wrdreg s18  }
0x1a: {  	s6 =	simm.s32 $0xA;
	s17 =	sshrl.u32 s4, $0x3;
	[dreg:$0x10] =	wrdreg s0  }
0x1b: {  	s5 =	simm.s32 $0x9;
	s0 =	simm.s32 $0x7;
	[dreg:$0x13] =	wrdreg s17  }
.LBB2_1:
0x1c: {  	[dreg:$0x14] =	wrdreg s13  }
0x1d: {  	s4 =	rddreg [dreg:$0xc]  }
0x1e: {  	s16 =	rddreg [dreg:$0x12];
	s23 =	simm.s32 $0x11  }
0x1f: {  	[spmem:s16], [sflag:s7] =	dma.local [hbm:s4], $0x500  }
0x20: {  	_ =	swait.ge [sflag:s23], $0x500  }
0x21: {  	[sflag:s23] =	ssyncset.done $0x0  }
0x22: {  	s18 =	rddreg [dreg:$0xb];
	[sflag:s23] =	ssyncadd.s32 $0xFFFFFB00  }
0x23: {  	[spmem:s17], [sflag:s7] =	dma.local [hbm:s18], $0x500  }
0x24: {  	_ =	swait.ge [sflag:s23], $0x500  }
0x25: {  	[sflag:s23] =	ssyncset.done $0x0  }
0x26: {  	s7 =	simm.s32 $0x0;
	s19 =	rddreg [dreg:$0xe];
	[sflag:s23] =	ssyncadd.s32 $0xFFFFFB00  }
0x27: {  	[tilespmem:s7], [sflag:$0x11] =	stream.linear.gather [hbm4b:s19+s7], $0x2800, $0x38;
	[tilespmem:$0xBC00] =	vst v63  }
0x28: {  	_ =	swait.ge [sflag:s23], $0x2800  }
0x29: {  	[sflag:s23] =	ssyncset.done $0x0  }
0x2a: {  	[sflag:s23] =	ssyncadd.s32 $0xFFFFD800  }
0x2b: {  	s20 =	simm.s32 $0x0;
	s16 =	simm.s32 $0x2C00;
	[bflag:$0x0] =	sbarrier.arrive $0xFFFF  }
0x2c: {  	[tilespmem:s16], [sflag:$0x1] =	stream.indirect.gather [spmem:s2], $0x10, s20, s15, $0xb8;
	[tilespmem:$0xBC00] =	vst v63  }
0x2d: {  	s21 =	simm.s32 $0x80;
	s18 =	simm.s32 $0x3400  }
0x2e: {  	[tilespmem:s18], [sflag:$0x2] =	stream.indirect.gather [spmem:s2], $0x10, s21, s15, $0xb8;
	[tilespmem:$0xBC00] =	vst v63  }
0x2f: {  	s22 =	simm.s32 $0x100;
	s19 =	simm.s32 $0x3C00  }
0x30: {  	[tilespmem:s19], [sflag:$0x3] =	stream.indirect.gather [spmem:s2], $0x10, s22, s15, $0xb8;
	[tilespmem:$0xBC00] =	vst v63  }
0x31: {  	s24 =	simm.s32 $0x180;
	s20 =	simm.s32 $0x4400  }
0x32: {  	[tilespmem:s20], [sflag:$0x4] =	stream.indirect.gather [spmem:s2], $0x10, s24, s15, $0xb8;
	[tilespmem:$0xBC00] =	vst v63  }
0x33: {  	s13 =	simm.s32 $0x200;
	s21 =	simm.s32 $0x4C00  }
0x34: {  	[tilespmem:s21], [sflag:$0x5] =	stream.indirect.gather [spmem:s2], $0x10, s13, s15, $0xb8;
	[tilespmem:$0xBC00] =	vst v63  }
0x35: {  	s17 =	simm.s32 $0x280;
	s22 =	simm.s32 $0x5400  }
0x36: {  	[tilespmem:s22], [sflag:$0x6] =	stream.indirect.gather [spmem:s2], $0x10, s17, s15, $0xb8;
	[tilespmem:$0xBC00] =	vst v63  }
0x37: {  	s24 =	simm.s32 $0x300;
	s13 =	simm.s32 $0x5C00  }
0x38: {  	[tilespmem:s13], [sflag:$0x7] =	stream.indirect.gather [spmem:s2], $0x10, s24, s15, $0xb8;
	[tilespmem:$0xBC00] =	vst v63  }
0x39: {  	s17 =	simm.s32 $0x380;
	s24 =	simm.s32 $0x6400  }
0x3a: {  	[tilespmem:s24], [sflag:$0x8] =	stream.indirect.gather [spmem:s2], $0x10, s17, s15, $0xb8;
	[tilespmem:$0xBC00] =	vst v63  }
0x3b: {  	s4 =	simm.s32 $0x2800;
	s17 =	rddreg [dreg:$0x11]  }
0x3c: {  	[tilespmem:s4], [sflag:$0x11] =	stream.linear.gather [hbm4b:s17+s7], $0x400, $0x38;
	[tilespmem:$0xBC00] =	vst v63  }
0x3d: {  	_ =	swait.ge [sflag:s23], $0x400  }
0x3e: {  	[sflag:s23] =	ssyncset.done $0x0  }
0x3f: {  	[sflag:s23] =	ssyncadd.s32 $0xFFFFFC00;
	s23 =	simm.s32 $0x1  }
0x40: {  	_ =	swait.ge [sflag:s23], $0x800  }
0x41: {  	[sflag:s23] =	ssyncset.done $0x0  }
0x42: {  	[sflag:s23] =	ssyncadd.s32 $0xFFFFF800  }
0x43: {  	[spmem:s3] =	stream.indirect.scatter.add.f32 [tilespmem:s16], [sflag:$0x9], $0x10, s4, s15, $0xb8;
	[tilespmem:$0xBC00] =	vst v63  }
0x44: {  	_ =	swait.ge [sflag:s26], $0x800  }
0x45: {  	[sflag:s26] =	ssyncset.done $0x0  }
0x46: {  	s16 =	rddreg [dreg:$0x4];
	[sflag:s26] =	ssyncadd.s32 $0xFFFFF800  }
0x47: {  	[spmem:s3] =	stream.indirect.scatter.add.f32 [tilespmem:s18], [sflag:$0xA], $0x10, s16, s15, $0xb8;
	[tilespmem:$0xBC00] =	vst v63  }
0x48: {  	_ =	swait.ge [sflag:s28], $0x800  }
0x49: {  	[sflag:s28] =	ssyncset.done $0x0  }
0x4a: {  	s18 =	rddreg [dreg:$0x5];
	[sflag:s28] =	ssyncadd.s32 $0xFFFFF800  }
0x4b: {  	[spmem:s3] =	stream.indirect.scatter.add.f32 [tilespmem:s19], [sflag:$0xB], $0x10, s18, s15, $0xb8;
	[tilespmem:$0xBC00] =	vst v63  }
0x4c: {  	_ =	swait.ge [sflag:s29], $0x800  }
0x4d: {  	[sflag:s29] =	ssyncset.done $0x0  }
0x4e: {  	s19 =	rddreg [dreg:$0x6];
	[sflag:s29] =	ssyncadd.s32 $0xFFFFF800  }
0x4f: {  	[spmem:s3] =	stream.indirect.scatter.add.f32 [tilespmem:s20], [sflag:$0xC], $0x10, s19, s15, $0xb8;
	[tilespmem:$0xBC00] =	vst v63  }
0x50: {  	_ =	swait.ge [sflag:s30], $0x800  }
0x51: {  	[sflag:s30] =	ssyncset.done $0x0  }
0x52: {  	s20 =	rddreg [dreg:$0x7];
	[sflag:s30] =	ssyncadd.s32 $0xFFFFF800  }
0x53: {  	[spmem:s3] =	stream.indirect.scatter.add.f32 [tilespmem:s21], [sflag:$0xD], $0x10, s20, s15, $0xb8;
	[tilespmem:$0xBC00] =	vst v63  }
0x54: {  	_ =	swait.ge [sflag:s31], $0x800  }
0x55: {  	[sflag:s31] =	ssyncset.done $0x0  }
0x56: {  	s21 =	rddreg [dreg:$0x8];
	[sflag:s31] =	ssyncadd.s32 $0xFFFFF800  }
0x57: {  	[spmem:s3] =	stream.indirect.scatter.add.f32 [tilespmem:s22], [sflag:$0xE], $0x10, s21, s15, $0xb8;
	[tilespmem:$0xBC00] =	vst v63  }
0x58: {  	_ =	swait.ge [sflag:s0], $0x800  }
0x59: {  	[sflag:s0] =	ssyncset.done $0x0  }
0x5a: {  	s22 =	rddreg [dreg:$0x9];
	[sflag:s0] =	ssyncadd.s32 $0xFFFFF800  }
0x5b: {  	[spmem:s3] =	stream.indirect.scatter.add.f32 [tilespmem:s13], [sflag:$0xF], $0x10, s22, s15, $0xb8;
	[tilespmem:$0xBC00] =	vst v63  }
0x5c: {  	_ =	swait.ge [sflag:s1], $0x800  }
0x5d: {  	[sflag:s1] =	ssyncset.done $0x0  }
0x5e: {  	s23 =	rddreg [dreg:$0xa];
	[sflag:s1] =	ssyncadd.s32 $0xFFFFF800  }
0x5f: {  	[spmem:s3] =	stream.indirect.scatter.add.f32 [tilespmem:s24], [sflag:$0x10], $0x10, s23, s15, $0xb8;
	[tilespmem:$0xBC00] =	vst v63  }
0x60: {  	_ =	swait.ge [sflag:s5], $0x800  }
0x61: {  	[sflag:s5] =	ssyncset.done $0x0  }
0x62: {  	[sflag:s5] =	ssyncadd.s32 $0xFFFFF800  }
0x63: {  	_ =	swait.ge [sflag:s6], $0x800  }
0x64: {  	[sflag:s6] =	ssyncset.done $0x0  }
0x65: {  	[sflag:s6] =	ssyncadd.s32 $0xFFFFF800  }
0x66: {  	_ =	swait.ge [sflag:s8], $0x800  }
0x67: {  	[sflag:s8] =	ssyncset.done $0x0  }
0x68: {  	[sflag:s8] =	ssyncadd.s32 $0xFFFFF800  }
0x69: {  	_ =	swait.ge [sflag:s9], $0x800  }
0x6a: {  	[sflag:s9] =	ssyncset.done $0x0  }
0x6b: {  	[sflag:s9] =	ssyncadd.s32 $0xFFFFF800  }
0x6c: {  	_ =	swait.ge [sflag:s10], $0x800  }
0x6d: {  	[sflag:s10] =	ssyncset.done $0x0  }
0x6e: {  	[sflag:s10] =	ssyncadd.s32 $0xFFFFF800  }
0x6f: {  	_ =	swait.ge [sflag:s12], $0x800  }
0x70: {  	[sflag:s12] =	ssyncset.done $0x0  }
0x71: {  	[sflag:s12] =	ssyncadd.s32 $0xFFFFF800  }
0x72: {  	_ =	swait.ge [sflag:s11], $0x800  }
0x73: {  	[sflag:s11] =	ssyncset.done $0x0  }
0x74: {  	[sflag:s11] =	ssyncadd.s32 $0xFFFFF800  }
0x75: {  	s7 =	sadd.s32 $0x80, s17;
	_ =	swait.ge [sflag:s14], $0x800  }
0x76: {  	s4 =	simm.s32 $0x1000;
	s16 =	simm.s32 $0x2000;
	[sflag:s14] =	ssyncset.done $0x0  }
.LBB2_2:
0x77: {  	s18 =	sshra.s32 s4, $0x2;
	[sflag:s14] =	ssyncadd.s32 $0xFFFFF800;
	s19 =	simm.s32 $0x2C00  }
0x78: {  	[tilespmem:s19], [sflag:$0x1] =	stream.indirect.gather [spmem:s2], $0x10, s18, s15, $0xb8;
	[tilespmem:$0xBC00] =	vst v63  }
0x79: {  	s20 =	simm.s32 $0x3400;
	s21 =	sadd.s32 $0x80, s18  }
0x7a: {  	[tilespmem:s20], [sflag:$0x2] =	stream.indirect.gather [spmem:s2], $0x10, s21, s15, $0xb8;
	[tilespmem:$0xBC00] =	vst v63  }
0x7b: {  	s22 =	sadd.s32 $0x100, s18;
	s21 =	simm.s32 $0x3C00  }
0x7c: {  	[tilespmem:s21], [sflag:$0x3] =	stream.indirect.gather [spmem:s2], $0x10, s22, s15, $0xb8;
	[tilespmem:$0xBC00] =	vst v63  }
0x7d: {  	s23 =	sadd.s32 $0x180, s18;
	s22 =	simm.s32 $0x4400  }
0x7e: {  	[tilespmem:s22], [sflag:$0x4] =	stream.indirect.gather [spmem:s2], $0x10, s23, s15, $0xb8;
	[tilespmem:$0xBC00] =	vst v63  }
0x7f: {  	s4 =	smov.u32 s16;
	s24 =	sadd.s32 $0x200, s18;
	s23 =	simm.s32 $0x4C00  }
0x80: {  	[tilespmem:s23], [sflag:$0x5] =	stream.indirect.gather [spmem:s2], $0x10, s24, s15, $0xb8;
	[tilespmem:$0xBC00] =	vst v63  }
0x81: {  	s17 =	sadd.s32 $0x1000, s16;
	s13 =	sadd.s32 $0x280, s18;
	s24 =	simm.s32 $0x5400  }
0x82: {  	[tilespmem:s24], [sflag:$0x6] =	stream.indirect.gather [spmem:s2], $0x10, s13, s15, $0xb8;
	[tilespmem:$0xBC00] =	vst v63  }
0x83: {  	p0 =	sne.s32 s16, $0x9000;
	s16 =	sadd.s32 $0x300, s18;
	s13 =	simm.s32 $0x5C00  }
0x84: {  	[tilespmem:s13], [sflag:$0x7] =	stream.indirect.gather [spmem:s2], $0x10, s16, s15, $0xb8;
	[tilespmem:$0xBC00] =	vst v63  }
0x85: {  	s16 =	sadd.s32 $0x380, s18;
	s18 =	simm.s32 $0x6400  }
0x86: {  	[tilespmem:s18], [sflag:$0x8] =	stream.indirect.gather [spmem:s2], $0x10, s16, s15, $0xb8;
	[tilespmem:$0xBC00] =	vst v63  }
0x87: {  	s16 =	simm.s32 $0x0  }
0x88: {  	[tilespmem:s25], [sflag:$0x11] =	stream.linear.gather [hbm4b:s7+s16], $0x400, $0x38;
	[tilespmem:$0xBC00] =	vst v63  }
0x89: {  	s16 =	simm.s32 $0x11  }
0x8a: {  	_ =	swait.ge [sflag:s16], $0x400  }
0x8b: {  	[sflag:s16] =	ssyncset.done $0x0  }
0x8c: {  	[sflag:s16] =	ssyncadd.s32 $0xFFFFFC00;
	s16 =	simm.s32 $0x1  }
0x8d: {  	_ =	swait.ge [sflag:s16], $0x800  }
0x8e: {  	[sflag:s16] =	ssyncset.done $0x0  }
0x8f: {  	[sflag:s16] =	ssyncadd.s32 $0xFFFFF800  }
0x90: {  	[spmem:s3] =	stream.indirect.scatter.add.f32 [tilespmem:s19], [sflag:$0x9], $0x10, s25, s15, $0xb8;
	[tilespmem:$0xBC00] =	vst v63  }
0x91: {  	_ =	swait.ge [sflag:s26], $0x800  }
0x92: {  	[sflag:s26] =	ssyncset.done $0x0  }
0x93: {  	s19 =	rddreg [dreg:$0x4];
	[sflag:s26] =	ssyncadd.s32 $0xFFFFF800  }
0x94: {  	[spmem:s3] =	stream.indirect.scatter.add.f32 [tilespmem:s20], [sflag:$0xA], $0x10, s19, s15, $0xb8;
	[tilespmem:$0xBC00] =	vst v63  }
0x95: {  	_ =	swait.ge [sflag:s28], $0x800  }
0x96: {  	[sflag:s28] =	ssyncset.done $0x0  }
0x97: {  	s19 =	rddreg [dreg:$0x5];
	[sflag:s28] =	ssyncadd.s32 $0xFFFFF800  }
0x98: {  	[spmem:s3] =	stream.indirect.scatter.add.f32 [tilespmem:s21], [sflag:$0xB], $0x10, s19, s15, $0xb8;
	[tilespmem:$0xBC00] =	vst v63  }
0x99: {  	_ =	swait.ge [sflag:s29], $0x800  }
0x9a: {  	[sflag:s29] =	ssyncset.done $0x0  }
0x9b: {  	s20 =	rddreg [dreg:$0x6];
	[sflag:s29] =	ssyncadd.s32 $0xFFFFF800  }
0x9c: {  	[spmem:s3] =	stream.indirect.scatter.add.f32 [tilespmem:s22], [sflag:$0xC], $0x10, s20, s15, $0xb8;
	[tilespmem:$0xBC00] =	vst v63  }
0x9d: {  	_ =	swait.ge [sflag:s30], $0x800  }
0x9e: {  	[sflag:s30] =	ssyncset.done $0x0  }
0x9f: {  	s21 =	rddreg [dreg:$0x7];
	[sflag:s30] =	ssyncadd.s32 $0xFFFFF800  }
0xa0: {  	[spmem:s3] =	stream.indirect.scatter.add.f32 [tilespmem:s23], [sflag:$0xD], $0x10, s21, s15, $0xb8;
	[tilespmem:$0xBC00] =	vst v63  }
0xa1: {  	_ =	swait.ge [sflag:s31], $0x800  }
0xa2: {  	[sflag:s31] =	ssyncset.done $0x0  }
0xa3: {  	s22 =	rddreg [dreg:$0x8];
	[sflag:s31] =	ssyncadd.s32 $0xFFFFF800  }
0xa4: {  	[spmem:s3] =	stream.indirect.scatter.add.f32 [tilespmem:s24], [sflag:$0xE], $0x10, s22, s15, $0xb8;
	[tilespmem:$0xBC00] =	vst v63  }
0xa5: {  	_ =	swait.ge [sflag:s0], $0x800  }
0xa6: {  	[sflag:s0] =	ssyncset.done $0x0  }
0xa7: {  	s23 =	rddreg [dreg:$0x9];
	[sflag:s0] =	ssyncadd.s32 $0xFFFFF800  }
0xa8: {  	[spmem:s3] =	stream.indirect.scatter.add.f32 [tilespmem:s13], [sflag:$0xF], $0x10, s23, s15, $0xb8;
	[tilespmem:$0xBC00] =	vst v63  }
0xa9: {  	_ =	swait.ge [sflag:s1], $0x800  }
0xaa: {  	[sflag:s1] =	ssyncset.done $0x0  }
0xab: {  	s24 =	rddreg [dreg:$0xa];
	[sflag:s1] =	ssyncadd.s32 $0xFFFFF800  }
0xac: {  	[spmem:s3] =	stream.indirect.scatter.add.f32 [tilespmem:s18], [sflag:$0x10], $0x10, s24, s15, $0xb8;
	[tilespmem:$0xBC00] =	vst v63  }
0xad: {  	_ =	swait.ge [sflag:s5], $0x800  }
0xae: {  	[sflag:s5] =	ssyncset.done $0x0  }
0xaf: {  	[sflag:s5] =	ssyncadd.s32 $0xFFFFF800  }
0xb0: {  	_ =	swait.ge [sflag:s6], $0x800  }
0xb1: {  	[sflag:s6] =	ssyncset.done $0x0  }
0xb2: {  	[sflag:s6] =	ssyncadd.s32 $0xFFFFF800  }
0xb3: {  	_ =	swait.ge [sflag:s8], $0x800  }
0xb4: {  	[sflag:s8] =	ssyncset.done $0x0  }
0xb5: {  	[sflag:s8] =	ssyncadd.s32 $0xFFFFF800  }
0xb6: {  	_ =	swait.ge [sflag:s9], $0x800  }
0xb7: {  	[sflag:s9] =	ssyncset.done $0x0  }
0xb8: {  	[sflag:s9] =	ssyncadd.s32 $0xFFFFF800  }
0xb9: {  	_ =	swait.ge [sflag:s10], $0x800  }
0xba: {  	[sflag:s10] =	ssyncset.done $0x0  }
0xbb: {  	[sflag:s10] =	ssyncadd.s32 $0xFFFFF800  }
0xbc: {  	_ =	swait.ge [sflag:s12], $0x800  }
0xbd: {  	[sflag:s12] =	ssyncset.done $0x0  }
0xbe: {  	[sflag:s12] =	ssyncadd.s32 $0xFFFFF800  }
.Ltmp0:
0xbf: {  	_ =	swait.ge [sflag:s11], $0x800;
	(pc) =	sbr.rel @p0 .LBB2_2-.Ltmp0, $4  }
0xc0: {  	[sflag:s11] =	ssyncset.done $0x0  }
0xc1: {  	[sflag:s11] =	ssyncadd.s32 $0xFFFFF800  }
0xc2: {  	_ =	swait.ge [sflag:s14], $0x800  }
0xc3: {  	s7 =	sadd.s32 $0x80, s7;
	s16 =	smov.u32 s17;
	[sflag:s14] =	ssyncset.done $0x0  }
0xc4: {  	s4 =	sshra.s32 s4, $0x2;
	[sflag:s14] =	ssyncadd.s32 $0xFFFFF800;
	s17 =	simm.s32 $0x2C00  }
0xc5: {  	[tilespmem:s17], [sflag:$0x1] =	stream.indirect.gather [spmem:s2], $0x10, s4, s15, $0xb8;
	[tilespmem:$0xBC00] =	vst v63  }
0xc6: {  	s18 =	simm.s32 $0x3400;
	s16 =	sadd.s32 $0x80, s4  }
0xc7: {  	[tilespmem:s18], [sflag:$0x2] =	stream.indirect.gather [spmem:s2], $0x10, s16, s15, $0xb8;
	[tilespmem:$0xBC00] =	vst v63  }
0xc8: {  	s19 =	simm.s32 $0x3C00;
	s20 =	sadd.s32 $0x100, s4  }
0xc9: {  	[tilespmem:s19], [sflag:$0x3] =	stream.indirect.gather [spmem:s2], $0x10, s20, s15, $0xb8;
	[tilespmem:$0xBC00] =	vst v63  }
0xca: {  	s21 =	sadd.s32 $0x180, s4;
	s20 =	simm.s32 $0x4400  }
0xcb: {  	[tilespmem:s20], [sflag:$0x4] =	stream.indirect.gather [spmem:s2], $0x10, s21, s15, $0xb8;
	[tilespmem:$0xBC00] =	vst v63  }
0xcc: {  	s22 =	sadd.s32 $0x200, s4;
	s21 =	simm.s32 $0x4C00  }
0xcd: {  	[tilespmem:s21], [sflag:$0x5] =	stream.indirect.gather [spmem:s2], $0x10, s22, s15, $0xb8;
	[tilespmem:$0xBC00] =	vst v63  }
0xce: {  	s23 =	sadd.s32 $0x280, s4;
	s22 =	simm.s32 $0x5400  }
0xcf: {  	[tilespmem:s22], [sflag:$0x6] =	stream.indirect.gather [spmem:s2], $0x10, s23, s15, $0xb8;
	[tilespmem:$0xBC00] =	vst v63  }
0xd0: {  	s13 =	simm.s32 $0x5C00;
	s24 =	sadd.s32 $0x300, s4  }
0xd1: {  	[tilespmem:s13], [sflag:$0x7] =	stream.indirect.gather [spmem:s2], $0x10, s24, s15, $0xb8;
	[tilespmem:$0xBC00] =	vst v63  }
0xd2: {  	s4 =	sadd.s32 $0x380, s4;
	s23 =	simm.s32 $0x6400  }
0xd3: {  	[tilespmem:s23], [sflag:$0x8] =	stream.indirect.gather [spmem:s2], $0x10, s4, s15, $0xb8;
	[tilespmem:$0xBC00] =	vst v63  }
0xd4: {  	s16 =	simm.s32 $0x0;
	s24 =	simm.s32 $0x2800  }
0xd5: {  	[tilespmem:s24], [sflag:$0x11] =	stream.linear.gather [hbm4b:s7+s16], $0x400, $0x38;
	[tilespmem:$0xBC00] =	vst v63  }
0xd6: {  	s16 =	simm.s32 $0x11  }
0xd7: {  	_ =	swait.ge [sflag:s16], $0x400  }
0xd8: {  	[sflag:s16] =	ssyncset.done $0x0  }
0xd9: {  	s7 =	simm.s32 $0x1;
	[sflag:s16] =	ssyncadd.s32 $0xFFFFFC00  }
0xda: {  	_ =	swait.ge [sflag:s7], $0x800  }
0xdb: {  	[sflag:s7] =	ssyncset.done $0x0  }
0xdc: {  	[sflag:s7] =	ssyncadd.s32 $0xFFFFF800  }
0xdd: {  	[spmem:s3] =	stream.indirect.scatter.add.f32 [tilespmem:s17], [sflag:$0x9], $0x10, s24, s15, $0xb8;
	[tilespmem:$0xBC00] =	vst v63  }
0xde: {  	_ =	swait.ge [sflag:s26], $0x800  }
0xdf: {  	[sflag:s26] =	ssyncset.done $0x0  }
0xe0: {  	s24 =	rddreg [dreg:$0x4];
	[sflag:s26] =	ssyncadd.s32 $0xFFFFF800  }
0xe1: {  	[spmem:s3] =	stream.indirect.scatter.add.f32 [tilespmem:s18], [sflag:$0xA], $0x10, s24, s15, $0xb8;
	[tilespmem:$0xBC00] =	vst v63  }
0xe2: {  	_ =	swait.ge [sflag:s28], $0x800  }
0xe3: {  	[sflag:s28] =	ssyncset.done $0x0  }
0xe4: {  	s7 =	rddreg [dreg:$0x5];
	[sflag:s28] =	ssyncadd.s32 $0xFFFFF800  }
0xe5: {  	[spmem:s3] =	stream.indirect.scatter.add.f32 [tilespmem:s19], [sflag:$0xB], $0x10, s7, s15, $0xb8;
	[tilespmem:$0xBC00] =	vst v63  }
0xe6: {  	_ =	swait.ge [sflag:s29], $0x800  }
0xe7: {  	[sflag:s29] =	ssyncset.done $0x0  }
0xe8: {  	s17 =	rddreg [dreg:$0x6];
	[sflag:s29] =	ssyncadd.s32 $0xFFFFF800  }
0xe9: {  	[spmem:s3] =	stream.indirect.scatter.add.f32 [tilespmem:s20], [sflag:$0xC], $0x10, s17, s15, $0xb8;
	[tilespmem:$0xBC00] =	vst v63  }
0xea: {  	_ =	swait.ge [sflag:s30], $0x800  }
0xeb: {  	[sflag:s30] =	ssyncset.done $0x0  }
0xec: {  	s18 =	rddreg [dreg:$0x7];
	[sflag:s30] =	ssyncadd.s32 $0xFFFFF800  }
0xed: {  	[spmem:s3] =	stream.indirect.scatter.add.f32 [tilespmem:s21], [sflag:$0xD], $0x10, s18, s15, $0xb8;
	[tilespmem:$0xBC00] =	vst v63  }
0xee: {  	_ =	swait.ge [sflag:s31], $0x800  }
0xef: {  	[sflag:s31] =	ssyncset.done $0x0  }
0xf0: {  	s19 =	rddreg [dreg:$0x8];
	[sflag:s31] =	ssyncadd.s32 $0xFFFFF800  }
0xf1: {  	[spmem:s3] =	stream.indirect.scatter.add.f32 [tilespmem:s22], [sflag:$0xE], $0x10, s19, s15, $0xb8;
	[tilespmem:$0xBC00] =	vst v63  }
0xf2: {  	_ =	swait.ge [sflag:s0], $0x800  }
0xf3: {  	[sflag:s0] =	ssyncset.done $0x0  }
0xf4: {  	s20 =	rddreg [dreg:$0x9];
	[sflag:s0] =	ssyncadd.s32 $0xFFFFF800  }
0xf5: {  	[spmem:s3] =	stream.indirect.scatter.add.f32 [tilespmem:s13], [sflag:$0xF], $0x10, s20, s15, $0xb8;
	[tilespmem:$0xBC00] =	vst v63  }
0xf6: {  	_ =	swait.ge [sflag:s1], $0x800  }
0xf7: {  	[sflag:s1] =	ssyncset.done $0x0  }
0xf8: {  	s21 =	rddreg [dreg:$0xa];
	[sflag:s1] =	ssyncadd.s32 $0xFFFFF800  }
0xf9: {  	[spmem:s3] =	stream.indirect.scatter.add.f32 [tilespmem:s23], [sflag:$0x10], $0x10, s21, s15, $0xb8;
	[tilespmem:$0xBC00] =	vst v63  }
0xfa: {  	_ =	swait.ge [sflag:s5], $0x800  }
0xfb: {  	[sflag:s5] =	ssyncset.done $0x0  }
0xfc: {  	[sflag:s5] =	ssyncadd.s32 $0xFFFFF800  }
0xfd: {  	_ =	swait.ge [sflag:s6], $0x800  }
0xfe: {  	[sflag:s6] =	ssyncset.done $0x0  }
0xff: {  	[sflag:s6] =	ssyncadd.s32 $0xFFFFF800  }
0x100: {  	_ =	swait.ge [sflag:s8], $0x800  }
0x101: {  	[sflag:s8] =	ssyncset.done $0x0  }
0x102: {  	[sflag:s8] =	ssyncadd.s32 $0xFFFFF800  }
0x103: {  	_ =	swait.ge [sflag:s9], $0x800  }
0x104: {  	[sflag:s9] =	ssyncset.done $0x0  }
0x105: {  	[sflag:s9] =	ssyncadd.s32 $0xFFFFF800  }
0x106: {  	_ =	swait.ge [sflag:s10], $0x800  }
0x107: {  	[sflag:s10] =	ssyncset.done $0x0  }
0x108: {  	[sflag:s10] =	ssyncadd.s32 $0xFFFFF800  }
0x109: {  	_ =	swait.ge [sflag:s12], $0x800  }
0x10a: {  	[sflag:s12] =	ssyncset.done $0x0  }
0x10b: {  	[sflag:s12] =	ssyncadd.s32 $0xFFFFF800  }
0x10c: {  	_ =	swait.ge [sflag:s11], $0x800  }
0x10d: {  	[sflag:s11] =	ssyncset.done $0x0  }
0x10e: {  	[sflag:s11] =	ssyncadd.s32 $0xFFFFF800  }
0x10f: {  	_ =	swait.ge [sflag:s14], $0x800  }
0x110: {  	[sflag:s14] =	ssyncset.done $0x0  }
0x111: {  	[sflag:s14] =	ssyncadd.s32 $0xFFFFF800  }
0x112: {  	[bflag:$0x0] =	sbarrier.arrive $0xFFFF  }
0x113: {  	s7 =	rddreg [dreg:$0xd]  }
0x114: {  	s22 =	rddreg [dreg:$0xf]  }
0x115: {  	s17 =	rddreg [dreg:$0x13]  }
0x116: {  	[hbm:s22], [sflag:s7] =	dma.local [spmem:s17], $0x500  }
0x117: {  	_ =	swait.ge [sflag:s16], $0x500  }
0x118: {  	s23 =	rddreg [dreg:$0x14]  }
0x119: {  	s24 =	rddreg [dreg:$0x10];
	s13 =	sadd.s32 $0x1, s23  }
0x11a: {  	p0 =	sne.s32 s13, s24  }
.Ltmp1:
0x11b: {  	_ = 	snop;
	(pc) =	sbr.rel @p0 .LBB2_1-.Ltmp1, $3  }
0x11c: {  	_ =	sdelay $0x1  }
0x11d: {  	[sflag:s16] =	ssyncset.done $0x0  }
0x11e: {  	[sflag:s16] =	ssyncadd.s32 $0xFFFFFB00  }
0x11f: {  	_ =	sfence.sel $0x180000  }
0x120: {  	[bflag:$0x0] =	sbarrier.arrive $0xFFFF  }
0x121: {  	_ =	strace $0x9000004D  }
0x122: {  	s0 =	stileid.u32;
	[bflag:$0x2] =	sbarrier.arrive $0xFFFF  }
0x123: {  	p0 =	sne.s32 s0, $0x0;
	s0 =	rddreg [dreg:$0x3]  }
0x124: {  	s0 =	sadd.s32 @!p0 $0x100000, s0  }
0x125: {  	[sflag:s0] =	ssyncadd.tile.s32 @!p0 $0x1;
	_ =	shalt  }
.Lfunc_end2:
_tile_overlayer_lowered:
.L_overlay_start_2:
0x126: {  	(tag) =	ssettag $0x2  }
0x127: {  	s0 =	rddreg [dreg:$0x0];
	s2 =	stileid.u32  }
0x128: {  	s1 =	rddreg [dreg:$0x1];
	p0 =	sne.s32 s2, $0x0  }
0x129: {  	s3 =	rddreg [dreg:$0x2];
	[bflag:$0x3] =	sbarrier.arrive $0xFFFF;
	s2 =	simm.s32 @!p0 $0x1C11  }
0x12a: {  	[timem:s3], [sflag:s2] =	dma.local @!p0 [hbm:s0], s1  }
0x12b: {  	s0 =	simm.s32 @!p0 $0x11  }
0x12c: {  	_ =	swait.ge @!p0 [sflag:s0], s1  }
0x12d: {  	s1 =	ssub.s32 @!p0 $0x0, s1;
	[sflag:s0] =	ssyncset.done @!p0 $0x0  }
0x12e: {  	[sflag:s0] =	ssyncadd.s32 @!p0 s1  }
0x12f: {  	[bflag:$0x3] =	sbarrier.arrive $0xFFFF  }
0x130: {  	_ =	shalt  }

// kernel: kernel.9.cloned.1.call-start
scs
__scs_entry_jumppad:
0x0: {  	(pc) =	sbr.rel $0x88, $3  }
0x1: {  	(tag) =	ssettag $0x0;
	lr =	simm.s32 $0x1  }
0x2: {  	[smem:$0x3F9A] =	sst lr;
	_ =	strace $0xD0000000  }
0x3: {  	_ = 	snop  }
0x4: {  	_ = 	snop  }
0x5: {  	_ = 	snop  }
0x6: {  	_ = 	snop  }
0x7: {  	_ = 	snop  }
__scs_overlays_trampoline_lowered:
0x8: {  	[smem:$0x3FA9] =	sst s0  }
0x9: {  	[smem:$0x3FAA] =	sst s1  }
0xa: {  	[smem:$0x3FAB] =	sst s2  }
0xb: {  	[smem:$0x3FAC] =	sst s3  }
0xc: {  	[smem:$0x3FAD] =	sst s4  }
0xd: {  	[smem:$0x3FAE] =	sst s5  }
0xe: {  	[smem:$0x3FAF] =	sst s6  }
0xf: {  	[smem:$0x3FB0] =	sst s7  }
0x10: {  	[smem:$0x3FB1] =	sst s8  }
0x11: {  	[smem:$0x3FB2] =	sst s9;
	s0 =	simm.s32 @!p0 $0x0  }
0x12: {  	s1 =	sld [smem:$0x3F98];
	s0 =	simm.s32 @p0 $0x1  }
0x13: {  	[smem:$0x3FB3] =	sst s0;
	s0 =	simm.s32 @!p1 $0x0  }
0x14: {  	s2 =	sld [smem:$0x3F97];
	s0 =	simm.s32 @p1 $0x1  }
0x15: {  	[smem:$0x3FB4] =	sst s0;
	s0 =	simm.s32 @!p2 $0x0  }
0x16: {  	s3 =	sld [smem:$0x3FDB];
	s0 =	simm.s32 @p2 $0x1  }
0x17: {  	s4 =	simm.s32 $0x1BF5;
	[smem:$0x3FB6] =	sst s0  }
0x18: {  	s0 =	sld [smem:$0x3F99];
	_ =	swait.ge [sflag:s4], $0x0  }
0x19: {  	s7 =	sld [smem:$0x3F9A]  }
0x1a: {  	s8 =	sadd.s32 $0xFFFFE003, lr  }
0x1b: {  	s9 =	sadd.s32 $0xFFFFFEF7, lr;
	s5 =	simm.s32 $0xFFFFFFFF;
	p2 =	slt.u32 s8, $0xFFFFF086  }
0x1c: {  	p1 =	slt.u32 s9, $0xF7A;
	s5 =	simm.s32 @!p2 $0x0  }
0x1d: {  	s5 =	simm.s32 @p1 $0x1;
	p0 =	seq.s32 s7, s2  }
0x1e: {  	s7 =	smul.u32 @!p0 $0xF7A, s2;
	p2 =	seq.s32 @!p0 s5, $0x0  }
0x1f: {  	s9 =	smul.u32 $0xF7A, s1;
	s8 =	simm.s32 @!p0 $0x1BF5;
	p2 =	por !p2, p0  }
0x20: {  	[sflag:s8] =	ssyncset.s32 @!p0 $0xFFFFF086;
	s6 =	sadd.s32 @!p0 s3, s7;
	s7 =	simm.s32 @!p0 $0x108  }
0x21: {  	s3 =	sadd.s32 s3, s9;
	s6 =	sadd.s32 @!p0 $0x88, s6;
	s7 =	simm.s32 @p2 $0x1082  }
0x22: {  	[simem:s7], [sflag:s8] =	dma.local @!p0 [hbm:s6], $0xF7A  }
0x23: {  	s9 =	sor.u32 $0xD0000000, s2;
	s6 =	simm.s32 $0x108;
	_ =	swait.ge @!p0 [sflag:s8], $0x0  }
0x24: {  	s3 =	sadd.s32 $0x88, s3;
	s6 =	simm.s32 @!p1 $0x1082;
	[sflag:s4] =	ssyncset.s32 $0xFFFFF086  }
0x25: {  	[simem:s6], [sflag:s4] =	dma.local [hbm:s3], $0xF7A  }
0x26: {  	[smem:$0x3F9A] =	sst s1;
	(tag) =	ssettag s2;
	_ =	strace s9  }
0x27: {  	s1 =	sld [smem:$0x3FAA]  }
0x28: {  	s2 =	sld [smem:$0x3FAB]  }
0x29: {  	s4 =	sld [smem:$0x3FAD]  }
0x2a: {  	p0 =	seq.s32 s5, $0x0;
	s5 =	sld [smem:$0x3FAE]  }
0x2b: {  	s6 =	sld [smem:$0x3FAF]  }
0x2c: {  	s7 =	sld [smem:$0x3FB0]  }
0x2d: {  	s3 =	simm.s32 $0x108;
	s8 =	sld [smem:$0x3FB1]  }
0x2e: {  	s3 =	simm.s32 @!p0 $0x1082;
	s9 =	sld [smem:$0x3FB2]  }
0x2f: {  	lr =	sadd.s32 s0, s3;
	s0 =	sld [smem:$0x3FA9]  }
0x30: {  	s3 =	sld [smem:$0x3FAC]  }
0x31: {  	[smem:$0x3FB5] =	sst s10  }
0x32: {  	s10 =	sld [smem:$0x3FB3];
	_ =	sdelay $0x3  }
0x33: {  	p0 =	seq.s32 s10, $0x1;
	s10 =	sld [smem:$0x3FB5];
	_ =	sdelay $0x3  }
0x34: {  	[smem:$0x3FB5] =	sst s10  }
0x35: {  	s10 =	sld [smem:$0x3FB4];
	_ =	sdelay $0x3  }
0x36: {  	p1 =	seq.s32 s10, $0x1;
	s10 =	sld [smem:$0x3FB5];
	_ =	sdelay $0x3  }
0x37: {  	[smem:$0x3FB5] =	sst s10  }
0x38: {  	s10 =	sld [smem:$0x3FB6]  }
0x39: {  	_ = 	snop;
	(pc) =	sbr.ind lr, $3  }
0x3a: {  	_ = 	snop  }
0x3b: {  	_ = 	snop  }
0x3c: {  	p2 =	seq.s32 s10, $0x1;
	s10 =	sld [smem:$0x3FB5]  }
0x3d: {  	_ =	shalt  }
0x3e: {  	_ =	shalt  }
0x3f: {  	_ =	shalt  }
0x40: {  	_ =	shalt  }
0x41: {  	_ =	shalt  }
0x42: {  	_ =	shalt  }
0x43: {  	_ =	shalt  }
0x44: {  	_ =	shalt  }
0x45: {  	_ =	shalt  }
0x46: {  	_ =	shalt  }
0x47: {  	_ =	shalt  }
0x48: {  	_ =	shalt  }
0x49: {  	_ =	shalt  }
0x4a: {  	_ =	shalt  }
0x4b: {  	_ =	shalt  }
0x4c: {  	_ =	shalt  }
0x4d: {  	_ =	shalt  }
0x4e: {  	_ =	shalt  }
0x4f: {  	_ =	shalt  }
0x50: {  	_ =	shalt  }
0x51: {  	_ =	shalt  }
0x52: {  	_ =	shalt  }
0x53: {  	_ =	shalt  }
0x54: {  	_ =	shalt  }
0x55: {  	_ =	shalt  }
0x56: {  	_ =	shalt  }
0x57: {  	_ =	shalt  }
0x58: {  	_ =	shalt  }
0x59: {  	_ =	shalt  }
0x5a: {  	_ =	shalt  }
0x5b: {  	_ =	shalt  }
0x5c: {  	_ =	shalt  }
0x5d: {  	_ =	shalt  }
0x5e: {  	_ =	shalt  }
0x5f: {  	_ =	shalt  }
0x60: {  	_ =	shalt  }
0x61: {  	_ =	shalt  }
0x62: {  	_ =	shalt  }
0x63: {  	_ =	shalt  }
0x64: {  	_ =	shalt  }
0x65: {  	_ =	shalt  }
0x66: {  	_ =	shalt  }
0x67: {  	_ =	shalt  }
0x68: {  	_ =	shalt  }
0x69: {  	_ =	shalt  }
0x6a: {  	_ =	shalt  }
0x6b: {  	_ =	shalt  }
0x6c: {  	_ =	shalt  }
0x6d: {  	_ =	shalt  }
0x6e: {  	_ =	shalt  }
0x6f: {  	_ =	shalt  }
0x70: {  	_ =	shalt  }
0x71: {  	_ =	shalt  }
0x72: {  	_ =	shalt  }
0x73: {  	_ =	shalt  }
0x74: {  	_ =	shalt  }
0x75: {  	_ =	shalt  }
0x76: {  	_ =	shalt  }
0x77: {  	_ =	shalt  }
0x78: {  	_ =	shalt  }
0x79: {  	_ =	shalt  }
0x7a: {  	_ =	shalt  }
0x7b: {  	_ =	shalt  }
0x7c: {  	_ =	shalt  }
0x7d: {  	_ =	shalt  }
0x7e: {  	_ =	shalt  }
0x7f: {  	_ =	shalt  }
0x80: {  	_ =	shalt  }
0x81: {  	_ =	shalt  }
0x82: {  	_ =	shalt  }
0x83: {  	_ =	shalt  }
0x84: {  	_ =	shalt  }
0x85: {  	_ =	shalt  }
0x86: {  	_ =	shalt  }
0x87: {  	_ =	shalt  }
.Lfunc_end0:
.L_simem_size_0:
called_computation_lowered:
.L_overlay_start_0:
0x88: {  	s2 =	sld [smem:$0x3FD9]  }
0x89: {  	s3 =	sld [smem:$0x3FFE];
	_ =	sdelay $0x1  }
0x8a: {  	s1 =	srdreg.scid  }
0x8b: {  	s0 =	sand.u32 $0x1, s1  }
0x8c: {  	s16 =	sshll.u32 s0, $0xA;
	s2 =	sadd.s32 s3, s2  }
0x8d: {  	s2 =	sadd.s32 s2, s16  }
0x8e: {  	[smem:$0x3FC1] =	sst s2  }
0x8f: {  	_ = 	snop  }
0x90: {  	(tm) =	ssettm $0x1  }
0x91: {  	s17 =	sld [smem:$0x3FFB];
	_ =	sdelay $0x3  }
0x92: {  	_ =	strace s17  }
0x93: {  	s2 =	sld [smem:$0x3FFC];
	_ =	sdelay $0x3  }
0x94: {  	_ =	strace s2  }
0x95: {  	s2 =	sld [smem:$0x3FFD];
	_ =	sdelay $0x3  }
0x96: {  	_ =	strace s2  }
0x97: {  	_ =	strace $0x8FFFFFFF  }
0x98: {  	s18 =	sld [smem:$0x3FDB];
	_ =	sdelay $0x1  }
0x99: {  	s19 =	simm.s32 $_scs_section_size  }
0x9a: {  	s4 =	simm.s32 $_size__tile_overlayer_lowered;
	s5 =	simm.s32 $_tile_overlayer_lowered  }
0x9b: {  	s22 =	simm.s32 $0x1BFF;
	s21 =	sshll.u32 s5, $0x1;
	s2 =	sadd.s32 s19, s18  }
0x9c: {  	s6 =	simm.s32 $0x0;
	s20 =	sshll.u32 s4, $0x1;
	s4 =	sadd.s32 s21, s2  }
0x9d: {  	[timem:s6], [sflag:s22] =	dma.local [hbm:s4], s20  }
0x9e: {  	_ =	swait.ge [sflag:s22], s20  }
0x9f: {  	s3 =	ssub.s32 $0x0, s20;
	[sflag:s22] =	ssyncset.done $0x0  }
0xa0: {  	[sflag:s22] =	ssyncadd.s32 s3;
	_ =	sdelay $0x1  }
0xa1: {  	s23 =	simm.s32 $0x1B8B  }
0xa2: {  	_ =	swait.ge [sflag:s23], $0x1  }
0xa3: {  	[sflag:s23] =	ssyncset.done $0x0  }
0xa4: {  	s25 =	simm.s32 $0x1B8E;
	s24 =	sld [smem:$0x3FFE];
	[sflag:s23] =	ssyncadd.s32 $0xFFFFFFFF  }
0xa5: {  	s26 =	simm.s32 $execute0_lowered;
	[smem:$0x3FD2] =	sst s25  }
0xa6: {  	s4 =	sshll.u32 s26, $0x1;
	_ =	strace $0x80000046;
	[dreg:$0x1] =	wrdreg $0xFFFFFFFF  }
0xa7: {  	s28 =	simm.s32 $_size_execute0_lowered;
	s2 =	sadd.s32 s2, s4;
	[dreg:$0x0] =	wrdreg $0x0  }
0xa8: {  	s4 =	sshll.u32 s28, $0x1;
	[dreg:$0x2] =	wrdreg s2  }
0xa9: {  	[dreg:$0x3] =	wrdreg s4  }
0xaa: {  	[dreg:$0x4] =	wrdreg $0xC0  }
0xab: {  	_ =	task [dreg:s6], $0x5FFFF  }
0xac: {  	[dreg:$0x1] =	wrdreg $0xFFFFFFFF  }
0xad: {  	[dreg:$0x0] =	wrdreg $0x60  }
0xae: {  	[dreg:$0x2] =	wrdreg s24  }
0xaf: {  	[dreg:$0x3] =	wrdreg $0x30000  }
0xb0: {  	[dreg:$0x4] =	wrdreg $0x9  }
0xb1: {  	_ =	task.clear_ibuf [dreg:s6], $0x5FFFF;
	_ =	strace $0x90000046  }
0xb2: {  	s29 =	simm.s32 $0x9;
	_ =	strace $0x80000048  }
0xb3: {  	_ =	swait.ge [sflag:s29], $0x1  }
0xb4: {  	[sflag:s29] =	ssyncadd.s32 $0xFFFFFFFF  }
0xb5: {  	_ =	strace $0x90000048  }
0xb6: {  	_ =	sfence  }
0xb7: {  	s30 =	sld [smem:$0x0];
	_ =	sdelay $0x2  }
0xb8: {  	s31 =	sshll.u32 s1, $0xD;
	s1 =	sshrl.u32 s1, $0x2  }
0xb9: {  	s3 =	sand.u32 $0x4000, s31;
	s1 =	sadd.s32 s1, s30  }
0xba: {  	s0 =	sor.u32 s3, s0;
	s1 =	sshll.u32 s1, $0x11  }
0xbb: {  	s0 =	sor.u32 s1, s0  }
0xbc: {  	s0 =	sadd.s32 $0x8F2B, s0  }
0xbd: {  	[sflag:s0] =	ssyncadd.remote.s32 $0x1  }
0xbe: {  	_ =	sfence.sel $0xFFFF  }
0xbf: {  	[dreg:$0x0] =	wrdreg $0xFFFFFFFF;
	(pc) =	sbr.abs _section_cstart, $3  }
0xc0: {  	[dreg:$0x1] =	wrdreg $0xFFFFFFFF  }
0xc1: {  	_ =	task.clear_ibuf [dreg:s6], $0x2FFFF;
	_ =	strace $0x9FFFFFFF  }
0xc2: {  	(tm) =	ssettm $0x7FFFFFFF  }
0xc3: {  	_ =	shalt  }
tec
execute0_lowered:
.L_overlay_start_1:
0x0: {  	(tag) =	ssettag $0x1  }
0x1: {  	s1 =	srdreg.scid;
	s6 =	rddreg [dreg:$0x0]  }
0x2: {  	s0 =	stileid.u32;
	s2 =	rddreg [dreg:$0x1]  }
0x3: {  	s3 =	simm.s32 $0x0;
	s12 =	simm.s32 $0x2800;
	s13 =	simm.s32 $0x80  }
0x4: {  	s14 =	simm.s32 $0x0;
	s5 =	sand.u32 $0x1, s1;
	s29 =	sshll.u32 s0, $0x1  }
0x5: {  	s7 =	smul.u32 $0x2800, s0;
	[smem:$0x7FF] =	sst s3;
	s31 =	sshll.u32 s0, $0x6  }
0x6: {  	s1 =	sor.u32 s5, s29;
	s8 =	smul.u32 $0x28000, s5;
	s10 =	ssub.s32 $0x2, s5  }
0x7: {  	s5 =	sadd.s32 $0xC400, s6;
	s4 =	smul.u32 $0x500, s1;
	s1 =	rddreg [dreg:$0x2]  }
0x8: {  	_ =	strace $0x80000047;
	s30 =	sshrl.u32 s10, $0x1;
	s8 =	sadd.s32 s7, s8  }
0x9: {  	s11 =	sadd.s32 s7, s2;
	s10 =	ssub.s32 s10, s30;
	s8 =	sshrl.u32 s8, $0x3  }
0xa: {  	s9 =	sadd.s32 s4, s6;
	s4 =	sadd.s32 $0xCA00, s6;
	s8 =	sadd.s32 s8, s6  }
0xb: {  	s6 =	sor.u32 $0x1C01, s31;
	s7 =	sadd.s32 $0x2400, s9;
	s9 =	smax.u32 s10, $0x1  }
0xc: {  	s10 =	sshrl.u32 s11, $0x3;
	s11 =	simm.s32 $0x1;
	s8 =	sadd.s32 $0xCC00, s8  }
.LBB2_1:
0xd: {  	[spmem:s10], [sflag:s6] =	dma.local [hbm:s5], $0x500  }
0xe: {  	_ =	swait.ge [sflag:s11], $0x500  }
0xf: {  	[sflag:s11] =	ssyncset.done $0x0  }
0x10: {  	[sflag:s11] =	ssyncadd.s32 $0xFFFFFB00  }
0x11: {  	[tilespmem:s12], [sflag:$0x1] =	stream.linear.gather [hbm4b:s4+s3], $0x800, $0x38;
	[tilespmem:$0x5800] =	vst v63  }
0x12: {  	_ =	swait.ge [sflag:s11], $0x800  }
0x13: {  	[sflag:s11] =	ssyncset.done $0x0  }
0x14: {  	[sflag:s11] =	ssyncadd.s32 $0xFFFFF800  }
0x15: {  	[tilespmem:s3], [sflag:$0x1] =	stream.linear.gather [hbm4b:s7+s3], $0x2800, $0x38;
	[tilespmem:$0x5800] =	vst v63  }
0x16: {  	_ =	swait.ge [sflag:s11], $0x2800  }
0x17: {  	[sflag:s11] =	ssyncset.done $0x0  }
0x18: {  	[sflag:s11] =	ssyncadd.s32 $0xFFFFD800  }
0x19: {  	s15 =	simm.s32 $0x0;
	[bflag:$0x0] =	sbarrier.arrive $0xFFFF  }
0x1a: {  	[spmem:s2] =	stream.indirect.scatter.add.f32 [tilespmem:s12], [sflag:$0x1], $0x10, s15, s13, $0xb8;
	[tilespmem:$0x5800] =	vst v63  }
0x1b: {  	_ =	swait.ge [sflag:s11], $0x800  }
0x1c: {  	s15 =	simm.s32 $0x200;
	[sflag:s11] =	ssyncset.done $0x0  }
.LBB2_2:
0x1d: {  	s16 =	sshra.s32 s15, $0x2;
	[sflag:s11] =	ssyncadd.s32 $0xFFFFF800;
	p0 =	sne.s32 s15, $0x9E00  }
0x1e: {  	[spmem:s2] =	stream.indirect.scatter.add.f32 [tilespmem:s12], [sflag:$0x1], $0x10, s16, s13, $0xb8;
	[tilespmem:$0x5800] =	vst v63  }
.Ltmp0:
0x1f: {  	_ = 	snop;
	(pc) =	sbr.rel @p0 .LBB2_2-.Ltmp0, $4  }
0x20: {  	_ = 	snop  }
0x21: {  	s15 =	sadd.s32 $0x200, s15  }
0x22: {  	_ =	swait.ge [sflag:s11], $0x800  }
0x23: {  	[sflag:s11] =	ssyncset.done $0x0  }
0x24: {  	s14 =	sadd.s32 $0x1, s14  }
0x25: {  	[sflag:s11] =	ssyncadd.s32 $0xFFFFF800;
	p0 =	sne.s32 s14, s9  }
.Ltmp1:
0x26: {  	[bflag:$0x0] =	sbarrier.arrive $0xFFFF;
	(pc) =	sbr.rel @p0 .LBB2_1-.Ltmp1, $4  }
0x27: {  	[hbm:s8], [sflag:s6] =	dma.local [spmem:s10], $0x500  }
0x28: {  	_ =	swait.ge [sflag:s11], $0x500  }
0x29: {  	[sflag:s11] =	ssyncset.done $0x0  }
0x2a: {  	[sflag:s11] =	ssyncadd.s32 $0xFFFFFB00  }
0x2b: {  	_ =	sfence.sel $0x180000  }
0x2c: {  	[bflag:$0x0] =	sbarrier.arrive $0xFFFF  }
0x2d: {  	p0 =	sne.s32 s0, $0x0;
	_ =	strace $0x90000047  }
0x2e: {  	s0 =	sadd.s32 @!p0 $0x100000, s1;
	[bflag:$0x2] =	sbarrier.arrive $0xFFFF  }
0x2f: {  	[sflag:s0] =	ssyncadd.tile.s32 @!p0 $0x1;
	_ =	shalt  }
.Lfunc_end2:
_tile_overlayer_lowered:
.L_overlay_start_2:
0x30: {  	(tag) =	ssettag $0x2  }
0x31: {  	s0 =	rddreg [dreg:$0x0];
	s2 =	stileid.u32  }
0x32: {  	s1 =	rddreg [dreg:$0x1];
	p0 =	sne.s32 s2, $0x0  }
0x33: {  	s3 =	rddreg [dreg:$0x2];
	[bflag:$0x3] =	sbarrier.arrive $0xFFFF;
	s2 =	simm.s32 @!p0 $0x1C01  }
0x34: {  	[timem:s3], [sflag:s2] =	dma.local @!p0 [hbm:s0], s1  }
0x35: {  	s0 =	simm.s32 @!p0 $0x1  }
0x36: {  	_ =	swait.ge @!p0 [sflag:s0], s1  }
0x37: {  	s1 =	ssub.s32 @!p0 $0x0, s1;
	[sflag:s0] =	ssyncset.done @!p0 $0x0  }
0x38: {  	[sflag:s0] =	ssyncadd.s32 @!p0 s1  }
0x39: {  	[bflag:$0x3] =	sbarrier.arrive $0xFFFF  }
0x3a: {  	_ =	shalt  }

</sc_bundles>
